<compile_context>
chip_gen: v7x
topology: tpu7x:2x2x1
jax: 0.10.2.dev20260603
libtpu: 0.0.44.dev20260713+nightly
codegen_flags: <defaults>
</compile_context>

<pallas_src>
import functools

import jax
import jax.numpy as jnp
from jax import lax
from jax.experimental import pallas as pl
from jax.experimental.pallas import tpu as pltpu
from jax.experimental.pallas import tpu_sc as plsc

N_E = 8192
DIM = 256
BETA = 0.25


_BM = 2048
_CN = 1024
_NCH = N_E // _CN


def _argmin_body(z_ref, cb_ref, esq_ref, idx_ref, loss_ref, acc_ref):
    i = pl.program_id(0)
    n_rows = pl.num_programs(0)

    zb = z_ref[...]
    zsq = jnp.sum(zb * zb, axis=1, keepdims=True)
    zb2 = zb * (-2.0)
    colf = jax.lax.broadcasted_iota(jnp.int32, (1, _CN), 1).astype(jnp.float32)

    bestv = None
    besti = None
    for ch in range(_NCH):
        sl = slice(ch * _CN, (ch + 1) * _CN)
        mm = jax.lax.dot_general(
            zb2, cb_ref[sl, :],
            dimension_numbers=(((1,), (1,)), ((), ())),
            preferred_element_type=jnp.float32,
        )
        d2 = (zsq + mm) + esq_ref[:, sl]
        mc = jnp.min(d2, axis=1, keepdims=True)
        icl = jnp.min(jnp.where(d2 == mc, colf, float(_CN)), axis=1,
                      keepdims=True) + float(ch * _CN)
        if bestv is None:
            bestv, besti = mc, icl
        else:
            upd = mc < bestv
            bestv = jnp.where(upd, mc, bestv)
            besti = jnp.where(upd, icl, besti)

    idx_ref[...] = besti.astype(jnp.int32)
    blk_sum = jnp.sum(bestv)

    @pl.when(i == 0)
    def _():
        acc_ref[0] = blk_sum

    @pl.when(i > 0)
    def _():
        acc_ref[0] = acc_ref[0] + blk_sum

    @pl.when(i == n_rows - 1)
    def _():
        loss_ref[...] = jnp.full((1, 1), acc_ref[0], jnp.float32)


def _distances_argmin(z_flat, codebook, e_sq):
    n = z_flat.shape[0]
    idx, d2_sum = pl.pallas_call(
        _argmin_body,
        grid=(n // _BM,),
        in_specs=[
            pl.BlockSpec((_BM, DIM), lambda i: (i, 0)),
            pl.BlockSpec((N_E, DIM), lambda i: (0, 0)),
            pl.BlockSpec((1, N_E), lambda i: (0, 0)),
        ],
        out_specs=[
            pl.BlockSpec((_BM, 1), lambda i: (i, 0)),
            pl.BlockSpec((1, 1), lambda i: (0, 0)),
        ],
        out_shape=[
            jax.ShapeDtypeStruct((n, 1), jnp.int32),
            jax.ShapeDtypeStruct((1, 1), jnp.float32),
        ],
        scratch_shapes=[
            pltpu.SMEM((1,), jnp.float32),
        ],
    )(z_flat, codebook, e_sq)
    return idx.reshape(n), d2_sum[0, 0]



_CHUNK = 128


def _make_gather(n_rows):
    info = plsc.get_sparse_core_info()
    nw = info.num_cores * info.num_subcores
    rows_per_w = n_rows // nw
    n_chunks = rows_per_w // _CHUNK
    mesh = plsc.VectorSubcoreMesh(core_axis_name="c", subcore_axis_name="s")

    @functools.partial(
        pl.kernel,
        mesh=mesh,
        out_type=jax.ShapeDtypeStruct((n_rows, DIM), jnp.float32),
        scratch_types=[
            pltpu.VMEM((_CHUNK,), jnp.int32),
            pltpu.VMEM((_CHUNK, DIM), jnp.float32),
            pltpu.SemaphoreType.DMA,
        ],
    )
    def gather(table_hbm, idx_hbm, out_hbm, idx_v, rows_v, sem):
        wid = lax.axis_index("s") * info.num_cores + lax.axis_index("c")
        base = wid * rows_per_w
        for c in range(n_chunks):
            off = base + c * _CHUNK
            pltpu.sync_copy(idx_hbm.at[pl.ds(off, _CHUNK)], idx_v)
            pltpu.async_copy(table_hbm.at[idx_v], rows_v, sem).wait()
            pltpu.sync_copy(rows_v, out_hbm.at[pl.ds(off, _CHUNK)])

    return gather



def kernel(z, codebook):
    zf = z.reshape(-1, z.shape[-1])
    n = zf.shape[0]
    e_sq = jnp.sum(codebook * codebook, axis=1)[None, :]

    indices, d2_sum = _distances_argmin(zf, codebook, e_sq)
    z_q = _make_gather(n)(codebook, indices).reshape(z.shape)

    loss = (1.0 + BETA) * d2_sum / (n * DIM)
    return z_q, loss, indices

# --- scband reference (transcript-rebuilt; emitter-appended) ---
"""Pipeline reference for scband-vector-quantizer-88476326297838 (READ-ONLY COPY).

The authoritative reference and input builder live on the scoring server;
editing this copy changes nothing except your own understanding.
"""

import jax, jax.numpy as jnp
import numpy as np

N_E = 8192
DIM = 256
BETA = 0.25


def setup_inputs(seed: int = 0) -> dict:
    key = jax.random.key(seed)
    k1, k2 = jax.random.split(key)
    z = jax.random.normal(k1, (32, 1024, DIM), dtype=jnp.float32)
    # embedding initialized uniform(-1/n_e, 1/n_e) as in the torch module
    codebook = jax.random.uniform(k2, (N_E, DIM), dtype=jnp.float32,
                                  minval=-1.0 / N_E, maxval=1.0 / N_E)
    return {"z": z, "codebook": codebook}


def reference(z, codebook):
    sg = jax.lax.stop_gradient
    z_flattened = z.reshape(-1, z.shape[-1])
    # torch.cdist -> euclidean distance; argmin is identical on squared distance
    z_sq = jnp.sum(z_flattened * z_flattened, axis=1, keepdims=True)
    e_sq = jnp.sum(codebook * codebook, axis=1)[None, :]
    d2 = z_sq - 2.0 * (z_flattened @ codebook.T) + e_sq
    min_encoding_indices = jnp.argmin(d2, axis=1)
    z_q = jnp.take(codebook, min_encoding_indices, axis=0).reshape(z.shape)
    # non-legacy loss: beta * ||sg(z_q) - z||^2 + ||z_q - sg(z)||^2
    loss = BETA * jnp.mean((sg(z_q) - z) ** 2) + jnp.mean((z_q - sg(z)) ** 2)
    # straight-through estimator
    z_q_st = z + sg(z_q - z)
    return z_q_st, loss, min_encoding_indices

if __name__ == "__main__":
    import jax
    _d = setup_inputs()
    print(jax.jit(kernel)(*tuple(_d.values())))

</pallas_src>

<mosaic_0001>
#map = affine_map<(d0, d1) -> (0, 0)>
#map1 = affine_map<(d0, d1) -> (0)>
module attributes {stable_mosaic.version = 14 : i64} {
  func.func @gather(%arg0: i32, %arg1: i32, %arg2: memref<8192x256xf32, #tpu.memory_space<hbm>>, %arg3: memref<32768xi32, #tpu.memory_space<hbm>>, %arg4: memref<32768x256xf32, #tpu.memory_space<hbm>>, %arg5: memref<128xi32, #tpu.memory_space<vmem>>, %arg6: memref<128x256xf32, #tpu.memory_space<vmem>>, %arg7: memref<!tpu.dma_semaphore, #tpu.memory_space<semaphore_mem>>) attributes {dimension_semantics = [#tpu.dimension_semantics<core_parallel>, #tpu.dimension_semantics<subcore_parallel>], iteration_bounds = array<i64: 2, 16>, scalar_prefetch = 0 : i64, scratch_operands = 3 : i64, tpu.core_type = #tpu.core_type<sc_vector_subcore>, window_params = [{transform_indices = #map}, {transform_indices = #map1}, {transform_indices = #map}]} {
    %mul3A = arith.constant 2 : i32
    %mul3A_0 = arith.muli %arg1, %mul3A : i32
    %add3A = arith.addi %mul3A_0, %arg0 : i32
    %mul3A_1 = arith.constant 1024 : i32
    %mul3A_2 = arith.muli %add3A, %mul3A_1 : i32
    %add3A_3 = arith.constant 0 : i32
    %add3A_4 = arith.addi %mul3A_2, %add3A_3 : i32
    "tpu.region"() ({
      %run_scoped3A = tpu.sem_alloc : memref<!tpu.dma_semaphore, #tpu.memory_space<semaphore_mem>>
      %dma_start3A_65 = tpu.memref_slice %arg3[%add3A_4] : memref<32768xi32, #tpu.memory_space<hbm>> -> memref<128xi32, #tpu.memory_space<hbm>>
      %dma_start3A_66 = tpu.memref_slice %arg3[%add3A_4] : memref<32768xi32, #tpu.memory_space<hbm>> -> memref<128xi32, #tpu.memory_space<hbm>>
      tpu.enqueue_dma source(%dma_start3A_66 : memref<128xi32, #tpu.memory_space<hbm>>) target(%arg5 : memref<128xi32, #tpu.memory_space<vmem>>) target_semaphore(%run_scoped3A : memref<!tpu.dma_semaphore, #tpu.memory_space<semaphore_mem>>)
      %dma_wait3A_67 = tpu.memref_slice %arg3[%add3A_4] : memref<32768xi32, #tpu.memory_space<hbm>> -> memref<128xi32, #tpu.memory_space<hbm>>
      %dma_wait3A_68 = tpu.memref_slice %arg3[%add3A_4] : memref<32768xi32, #tpu.memory_space<hbm>> -> memref<128xi32, #tpu.memory_space<hbm>>
      tpu.wait_dma2 semaphore(%run_scoped3A : memref<!tpu.dma_semaphore, #tpu.memory_space<semaphore_mem>>) src(%dma_wait3A_68 : memref<128xi32, #tpu.memory_space<hbm>>) dst(%arg5 : memref<128xi32, #tpu.memory_space<vmem>>)
      tpu.yield
    }) : () -> ()
    %dma_start3A = arith.constant 0 : i32
    %dma_start3A_5 = arith.constant 0 : i32
    %dma_start3A_6 = tpu.memref_slice %arg2[%dma_start3A, %dma_start3A_5] : memref<8192x256xf32, #tpu.memory_space<hbm>> -> memref<8192x256xf32, #tpu.memory_space<hbm>>
    tpu.enqueue_indirect_dma source(%dma_start3A_6 : memref<8192x256xf32, #tpu.memory_space<hbm>>) target(%arg6 : memref<128x256xf32, #tpu.memory_space<vmem>>) offsets(%arg5 : memref<128xi32, #tpu.memory_space<vmem>>) semaphore(%arg7 : memref<!tpu.dma_semaphore, #tpu.memory_space<semaphore_mem>>)
    %dma_wait3A = arith.constant 0 : i32
    %dma_wait3A_7 = arith.constant 0 : i32
    %dma_wait3A_8 = tpu.memref_slice %arg2[%dma_wait3A, %dma_wait3A_7] : memref<8192x256xf32, #tpu.memory_space<hbm>> -> memref<8192x256xf32, #tpu.memory_space<hbm>>
    tpu.wait_indirect_dma semaphore(%arg7 : memref<!tpu.dma_semaphore, #tpu.memory_space<semaphore_mem>>) src(%dma_wait3A_8 : memref<8192x256xf32, #tpu.memory_space<hbm>>) dst(%arg6 : memref<128x256xf32, #tpu.memory_space<vmem>>)
    "tpu.region"() ({
      %run_scoped3A = tpu.sem_alloc : memref<!tpu.dma_semaphore, #tpu.memory_space<semaphore_mem>>
      %dma_start3A_65 = arith.constant 0 : i32
      %dma_start3A_66 = tpu.memref_slice %arg4[%add3A_4, %dma_start3A_65] : memref<32768x256xf32, #tpu.memory_space<hbm>> -> memref<128x256xf32, #tpu.memory_space<hbm>>
      %dma_start3A_67 = arith.constant 0 : i32
      %dma_start3A_68 = tpu.memref_slice %arg4[%add3A_4, %dma_start3A_67] : memref<32768x256xf32, #tpu.memory_space<hbm>> -> memref<128x256xf32, #tpu.memory_space<hbm>>
      tpu.enqueue_dma source(%arg6 : memref<128x256xf32, #tpu.memory_space<vmem>>) target(%dma_start3A_68 : memref<128x256xf32, #tpu.memory_space<hbm>>) target_semaphore(%run_scoped3A : memref<!tpu.dma_semaphore, #tpu.memory_space<semaphore_mem>>)
      %dma_wait3A_69 = arith.constant 0 : i32
      %dma_wait3A_70 = tpu.memref_slice %arg4[%add3A_4, %dma_wait3A_69] : memref<32768x256xf32, #tpu.memory_space<hbm>> -> memref<128x256xf32, #tpu.memory_space<hbm>>
      %dma_wait3A_71 = arith.constant 0 : i32
      %dma_wait3A_72 = tpu.memref_slice %arg4[%add3A_4, %dma_wait3A_71] : memref<32768x256xf32, #tpu.memory_space<hbm>> -> memref<128x256xf32, #tpu.memory_space<hbm>>
      tpu.wait_dma2 semaphore(%run_scoped3A : memref<!tpu.dma_semaphore, #tpu.memory_space<semaphore_mem>>) src(%arg6 : memref<128x256xf32, #tpu.memory_space<vmem>>) dst(%dma_wait3A_72 : memref<128x256xf32, #tpu.memory_space<hbm>>)
      tpu.yield
    }) : () -> ()
    %add3A_9 = arith.constant 128 : i32
    %add3A_10 = arith.addi %mul3A_2, %add3A_9 : i32
    "tpu.region"() ({
      %run_scoped3A = tpu.sem_alloc : memref<!tpu.dma_semaphore, #tpu.memory_space<semaphore_mem>>
      %dma_start3A_65 = tpu.memref_slice %arg3[%add3A_10] : memref<32768xi32, #tpu.memory_space<hbm>> -> memref<128xi32, #tpu.memory_space<hbm>>
      %dma_start3A_66 = tpu.memref_slice %arg3[%add3A_10] : memref<32768xi32, #tpu.memory_space<hbm>> -> memref<128xi32, #tpu.memory_space<hbm>>
      tpu.enqueue_dma source(%dma_start3A_66 : memref<128xi32, #tpu.memory_space<hbm>>) target(%arg5 : memref<128xi32, #tpu.memory_space<vmem>>) target_semaphore(%run_scoped3A : memref<!tpu.dma_semaphore, #tpu.memory_space<semaphore_mem>>)
      %dma_wait3A_67 = tpu.memref_slice %arg3[%add3A_10] : memref<32768xi32, #tpu.memory_space<hbm>> -> memref<128xi32, #tpu.memory_space<hbm>>
      %dma_wait3A_68 = tpu.memref_slice %arg3[%add3A_10] : memref<32768xi32, #tpu.memory_space<hbm>> -> memref<128xi32, #tpu.memory_space<hbm>>
      tpu.wait_dma2 semaphore(%run_scoped3A : memref<!tpu.dma_semaphore, #tpu.memory_space<semaphore_mem>>) src(%dma_wait3A_68 : memref<128xi32, #tpu.memory_space<hbm>>) dst(%arg5 : memref<128xi32, #tpu.memory_space<vmem>>)
      tpu.yield
    }) : () -> ()
    %dma_start3A_11 = arith.constant 0 : i32
    %dma_start3A_12 = arith.constant 0 : i32
    %dma_start3A_13 = tpu.memref_slice %arg2[%dma_start3A_11, %dma_start3A_12] : memref<8192x256xf32, #tpu.memory_space<hbm>> -> memref<8192x256xf32, #tpu.memory_space<hbm>>
    tpu.enqueue_indirect_dma source(%dma_start3A_13 : memref<8192x256xf32, #tpu.memory_space<hbm>>) target(%arg6 : memref<128x256xf32, #tpu.memory_space<vmem>>) offsets(%arg5 : memref<128xi32, #tpu.memory_space<vmem>>) semaphore(%arg7 : memref<!tpu.dma_semaphore, #tpu.memory_space<semaphore_mem>>)
    %dma_wait3A_14 = arith.constant 0 : i32
    %dma_wait3A_15 = arith.constant 0 : i32
    %dma_wait3A_16 = tpu.memref_slice %arg2[%dma_wait3A_14, %dma_wait3A_15] : memref<8192x256xf32, #tpu.memory_space<hbm>> -> memref<8192x256xf32, #tpu.memory_space<hbm>>
    tpu.wait_indirect_dma semaphore(%arg7 : memref<!tpu.dma_semaphore, #tpu.memory_space<semaphore_mem>>) src(%dma_wait3A_16 : memref<8192x256xf32, #tpu.memory_space<hbm>>) dst(%arg6 : memref<128x256xf32, #tpu.memory_space<vmem>>)
    "tpu.region"() ({
      %run_scoped3A = tpu.sem_alloc : memref<!tpu.dma_semaphore, #tpu.memory_space<semaphore_mem>>
      %dma_start3A_65 = arith.constant 0 : i32
      %dma_start3A_66 = tpu.memref_slice %arg4[%add3A_10, %dma_start3A_65] : memref<32768x256xf32, #tpu.memory_space<hbm>> -> memref<128x256xf32, #tpu.memory_space<hbm>>
      %dma_start3A_67 = arith.constant 0 : i32
      %dma_start3A_68 = tpu.memref_slice %arg4[%add3A_10, %dma_start3A_67] : memref<32768x256xf32, #tpu.memory_space<hbm>> -> memref<128x256xf32, #tpu.memory_space<hbm>>
      tpu.enqueue_dma source(%arg6 : memref<128x256xf32, #tpu.memory_space<vmem>>) target(%dma_start3A_68 : memref<128x256xf32, #tpu.memory_space<hbm>>) target_semaphore(%run_scoped3A : memref<!tpu.dma_semaphore, #tpu.memory_space<semaphore_mem>>)
      %dma_wait3A_69 = arith.constant 0 : i32
      %dma_wait3A_70 = tpu.memref_slice %arg4[%add3A_10, %dma_wait3A_69] : memref<32768x256xf32, #tpu.memory_space<hbm>> -> memref<128x256xf32, #tpu.memory_space<hbm>>
      %dma_wait3A_71 = arith.constant 0 : i32
      %dma_wait3A_72 = tpu.memref_slice %arg4[%add3A_10, %dma_wait3A_71] : memref<32768x256xf32, #tpu.memory_space<hbm>> -> memref<128x256xf32, #tpu.memory_space<hbm>>
      tpu.wait_dma2 semaphore(%run_scoped3A : memref<!tpu.dma_semaphore, #tpu.memory_space<semaphore_mem>>) src(%arg6 : memref<128x256xf32, #tpu.memory_space<vmem>>) dst(%dma_wait3A_72 : memref<128x256xf32, #tpu.memory_space<hbm>>)
      tpu.yield
    }) : () -> ()
    %add3A_17 = arith.constant 256 : i32
    %add3A_18 = arith.addi %mul3A_2, %add3A_17 : i32
    "tpu.region"() ({
      %run_scoped3A = tpu.sem_alloc : memref<!tpu.dma_semaphore, #tpu.memory_space<semaphore_mem>>
      %dma_start3A_65 = tpu.memref_slice %arg3[%add3A_18] : memref<32768xi32, #tpu.memory_space<hbm>> -> memref<128xi32, #tpu.memory_space<hbm>>
      %dma_start3A_66 = tpu.memref_slice %arg3[%add3A_18] : memref<32768xi32, #tpu.memory_space<hbm>> -> memref<128xi32, #tpu.memory_space<hbm>>
      tpu.enqueue_dma source(%dma_start3A_66 : memref<128xi32, #tpu.memory_space<hbm>>) target(%arg5 : memref<128xi32, #tpu.memory_space<vmem>>) target_semaphore(%run_scoped3A : memref<!tpu.dma_semaphore, #tpu.memory_space<semaphore_mem>>)
      %dma_wait3A_67 = tpu.memref_slice %arg3[%add3A_18] : memref<32768xi32, #tpu.memory_space<hbm>> -> memref<128xi32, #tpu.memory_space<hbm>>
      %dma_wait3A_68 = tpu.memref_slice %arg3[%add3A_18] : memref<32768xi32, #tpu.memory_space<hbm>> -> memref<128xi32, #tpu.memory_space<hbm>>
      tpu.wait_dma2 semaphore(%run_scoped3A : memref<!tpu.dma_semaphore, #tpu.memory_space<semaphore_mem>>) src(%dma_wait3A_68 : memref<128xi32, #tpu.memory_space<hbm>>) dst(%arg5 : memref<128xi32, #tpu.memory_space<vmem>>)
      tpu.yield
    }) : () -> ()
    %dma_start3A_19 = arith.constant 0 : i32
    %dma_start3A_20 = arith.constant 0 : i32
    %dma_start3A_21 = tpu.memref_slice %arg2[%dma_start3A_19, %dma_start3A_20] : memref<8192x256xf32, #tpu.memory_space<hbm>> -> memref<8192x256xf32, #tpu.memory_space<hbm>>
    tpu.enqueue_indirect_dma source(%dma_start3A_21 : memref<8192x256xf32, #tpu.memory_space<hbm>>) target(%arg6 : memref<128x256xf32, #tpu.memory_space<vmem>>) offsets(%arg5 : memref<128xi32, #tpu.memory_space<vmem>>) semaphore(%arg7 : memref<!tpu.dma_semaphore, #tpu.memory_space<semaphore_mem>>)
    %dma_wait3A_22 = arith.constant 0 : i32
    %dma_wait3A_23 = arith.constant 0 : i32
    %dma_wait3A_24 = tpu.memref_slice %arg2[%dma_wait3A_22, %dma_wait3A_23] : memref<8192x256xf32, #tpu.memory_space<hbm>> -> memref<8192x256xf32, #tpu.memory_space<hbm>>
    tpu.wait_indirect_dma semaphore(%arg7 : memref<!tpu.dma_semaphore, #tpu.memory_space<semaphore_mem>>) src(%dma_wait3A_24 : memref<8192x256xf32, #tpu.memory_space<hbm>>) dst(%arg6 : memref<128x256xf32, #tpu.memory_space<vmem>>)
    "tpu.region"() ({
      %run_scoped3A = tpu.sem_alloc : memref<!tpu.dma_semaphore, #tpu.memory_space<semaphore_mem>>
      %dma_start3A_65 = arith.constant 0 : i32
      %dma_start3A_66 = tpu.memref_slice %arg4[%add3A_18, %dma_start3A_65] : memref<32768x256xf32, #tpu.memory_space<hbm>> -> memref<128x256xf32, #tpu.memory_space<hbm>>
      %dma_start3A_67 = arith.constant 0 : i32
      %dma_start3A_68 = tpu.memref_slice %arg4[%add3A_18, %dma_start3A_67] : memref<32768x256xf32, #tpu.memory_space<hbm>> -> memref<128x256xf32, #tpu.memory_space<hbm>>
      tpu.enqueue_dma source(%arg6 : memref<128x256xf32, #tpu.memory_space<vmem>>) target(%dma_start3A_68 : memref<128x256xf32, #tpu.memory_space<hbm>>) target_semaphore(%run_scoped3A : memref<!tpu.dma_semaphore, #tpu.memory_space<semaphore_mem>>)
      %dma_wait3A_69 = arith.constant 0 : i32
      %dma_wait3A_70 = tpu.memref_slice %arg4[%add3A_18, %dma_wait3A_69] : memref<32768x256xf32, #tpu.memory_space<hbm>> -> memref<128x256xf32, #tpu.memory_space<hbm>>
      %dma_wait3A_71 = arith.constant 0 : i32
      %dma_wait3A_72 = tpu.memref_slice %arg4[%add3A_18, %dma_wait3A_71] : memref<32768x256xf32, #tpu.memory_space<hbm>> -> memref<128x256xf32, #tpu.memory_space<hbm>>
      tpu.wait_dma2 semaphore(%run_scoped3A : memref<!tpu.dma_semaphore, #tpu.memory_space<semaphore_mem>>) src(%arg6 : memref<128x256xf32, #tpu.memory_space<vmem>>) dst(%dma_wait3A_72 : memref<128x256xf32, #tpu.memory_space<hbm>>)
      tpu.yield
    }) : () -> ()
    %add3A_25 = arith.constant 384 : i32
    %add3A_26 = arith.addi %mul3A_2, %add3A_25 : i32
    "tpu.region"() ({
      %run_scoped3A = tpu.sem_alloc : memref<!tpu.dma_semaphore, #tpu.memory_space<semaphore_mem>>
      %dma_start3A_65 = tpu.memref_slice %arg3[%add3A_26] : memref<32768xi32, #tpu.memory_space<hbm>> -> memref<128xi32, #tpu.memory_space<hbm>>
      %dma_start3A_66 = tpu.memref_slice %arg3[%add3A_26] : memref<32768xi32, #tpu.memory_space<hbm>> -> memref<128xi32, #tpu.memory_space<hbm>>
      tpu.enqueue_dma source(%dma_start3A_66 : memref<128xi32, #tpu.memory_space<hbm>>) target(%arg5 : memref<128xi32, #tpu.memory_space<vmem>>) target_semaphore(%run_scoped3A : memref<!tpu.dma_semaphore, #tpu.memory_space<semaphore_mem>>)
      %dma_wait3A_67 = tpu.memref_slice %arg3[%add3A_26] : memref<32768xi32, #tpu.memory_space<hbm>> -> memref<128xi32, #tpu.memory_space<hbm>>
      %dma_wait3A_68 = tpu.memref_slice %arg3[%add3A_26] : memref<32768xi32, #tpu.memory_space<hbm>> -> memref<128xi32, #tpu.memory_space<hbm>>
      tpu.wait_dma2 semaphore(%run_scoped3A : memref<!tpu.dma_semaphore, #tpu.memory_space<semaphore_mem>>) src(%dma_wait3A_68 : memref<128xi32, #tpu.memory_space<hbm>>) dst(%arg5 : memref<128xi32, #tpu.memory_space<vmem>>)
      tpu.yield
    }) : () -> ()
    %dma_start3A_27 = arith.constant 0 : i32
    %dma_start3A_28 = arith.constant 0 : i32
    %dma_start3A_29 = tpu.memref_slice %arg2[%dma_start3A_27, %dma_start3A_28] : memref<8192x256xf32, #tpu.memory_space<hbm>> -> memref<8192x256xf32, #tpu.memory_space<hbm>>
    tpu.enqueue_indirect_dma source(%dma_start3A_29 : memref<8192x256xf32, #tpu.memory_space<hbm>>) target(%arg6 : memref<128x256xf32, #tpu.memory_space<vmem>>) offsets(%arg5 : memref<128xi32, #tpu.memory_space<vmem>>) semaphore(%arg7 : memref<!tpu.dma_semaphore, #tpu.memory_space<semaphore_mem>>)
    %dma_wait3A_30 = arith.constant 0 : i32
    %dma_wait3A_31 = arith.constant 0 : i32
    %dma_wait3A_32 = tpu.memref_slice %arg2[%dma_wait3A_30, %dma_wait3A_31] : memref<8192x256xf32, #tpu.memory_space<hbm>> -> memref<8192x256xf32, #tpu.memory_space<hbm>>
    tpu.wait_indirect_dma semaphore(%arg7 : memref<!tpu.dma_semaphore, #tpu.memory_space<semaphore_mem>>) src(%dma_wait3A_32 : memref<8192x256xf32, #tpu.memory_space<hbm>>) dst(%arg6 : memref<128x256xf32, #tpu.memory_space<vmem>>)
    "tpu.region"() ({
      %run_scoped3A = tpu.sem_alloc : memref<!tpu.dma_semaphore, #tpu.memory_space<semaphore_mem>>
      %dma_start3A_65 = arith.constant 0 : i32
      %dma_start3A_66 = tpu.memref_slice %arg4[%add3A_26, %dma_start3A_65] : memref<32768x256xf32, #tpu.memory_space<hbm>> -> memref<128x256xf32, #tpu.memory_space<hbm>>
      %dma_start3A_67 = arith.constant 0 : i32
      %dma_start3A_68 = tpu.memref_slice %arg4[%add3A_26, %dma_start3A_67] : memref<32768x256xf32, #tpu.memory_space<hbm>> -> memref<128x256xf32, #tpu.memory_space<hbm>>
      tpu.enqueue_dma source(%arg6 : memref<128x256xf32, #tpu.memory_space<vmem>>) target(%dma_start3A_68 : memref<128x256xf32, #tpu.memory_space<hbm>>) target_semaphore(%run_scoped3A : memref<!tpu.dma_semaphore, #tpu.memory_space<semaphore_mem>>)
      %dma_wait3A_69 = arith.constant 0 : i32
      %dma_wait3A_70 = tpu.memref_slice %arg4[%add3A_26, %dma_wait3A_69] : memref<32768x256xf32, #tpu.memory_space<hbm>> -> memref<128x256xf32, #tpu.memory_space<hbm>>
      %dma_wait3A_71 = arith.constant 0 : i32
      %dma_wait3A_72 = tpu.memref_slice %arg4[%add3A_26, %dma_wait3A_71] : memref<32768x256xf32, #tpu.memory_space<hbm>> -> memref<128x256xf32, #tpu.memory_space<hbm>>
      tpu.wait_dma2 semaphore(%run_scoped3A : memref<!tpu.dma_semaphore, #tpu.memory_space<semaphore_mem>>) src(%arg6 : memref<128x256xf32, #tpu.memory_space<vmem>>) dst(%dma_wait3A_72 : memref<128x256xf32, #tpu.memory_space<hbm>>)
      tpu.yield
    }) : () -> ()
    %add3A_33 = arith.constant 512 : i32
    %add3A_34 = arith.addi %mul3A_2, %add3A_33 : i32
    "tpu.region"() ({
      %run_scoped3A = tpu.sem_alloc : memref<!tpu.dma_semaphore, #tpu.memory_space<semaphore_mem>>
      %dma_start3A_65 = tpu.memref_slice %arg3[%add3A_34] : memref<32768xi32, #tpu.memory_space<hbm>> -> memref<128xi32, #tpu.memory_space<hbm>>
      %dma_start3A_66 = tpu.memref_slice %arg3[%add3A_34] : memref<32768xi32, #tpu.memory_space<hbm>> -> memref<128xi32, #tpu.memory_space<hbm>>
      tpu.enqueue_dma source(%dma_start3A_66 : memref<128xi32, #tpu.memory_space<hbm>>) target(%arg5 : memref<128xi32, #tpu.memory_space<vmem>>) target_semaphore(%run_scoped3A : memref<!tpu.dma_semaphore, #tpu.memory_space<semaphore_mem>>)
      %dma_wait3A_67 = tpu.memref_slice %arg3[%add3A_34] : memref<32768xi32, #tpu.memory_space<hbm>> -> memref<128xi32, #tpu.memory_space<hbm>>
      %dma_wait3A_68 = tpu.memref_slice %arg3[%add3A_34] : memref<32768xi32, #tpu.memory_space<hbm>> -> memref<128xi32, #tpu.memory_space<hbm>>
      tpu.wait_dma2 semaphore(%run_scoped3A : memref<!tpu.dma_semaphore, #tpu.memory_space<semaphore_mem>>) src(%dma_wait3A_68 : memref<128xi32, #tpu.memory_space<hbm>>) dst(%arg5 : memref<128xi32, #tpu.memory_space<vmem>>)
      tpu.yield
    }) : () -> ()
    %dma_start3A_35 = arith.constant 0 : i32
    %dma_start3A_36 = arith.constant 0 : i32
    %dma_start3A_37 = tpu.memref_slice %arg2[%dma_start3A_35, %dma_start3A_36] : memref<8192x256xf32, #tpu.memory_space<hbm>> -> memref<8192x256xf32, #tpu.memory_space<hbm>>
    tpu.enqueue_indirect_dma source(%dma_start3A_37 : memref<8192x256xf32, #tpu.memory_space<hbm>>) target(%arg6 : memref<128x256xf32, #tpu.memory_space<vmem>>) offsets(%arg5 : memref<128xi32, #tpu.memory_space<vmem>>) semaphore(%arg7 : memref<!tpu.dma_semaphore, #tpu.memory_space<semaphore_mem>>)
    %dma_wait3A_38 = arith.constant 0 : i32
    %dma_wait3A_39 = arith.constant 0 : i32
    %dma_wait3A_40 = tpu.memref_slice %arg2[%dma_wait3A_38, %dma_wait3A_39] : memref<8192x256xf32, #tpu.memory_space<hbm>> -> memref<8192x256xf32, #tpu.memory_space<hbm>>
    tpu.wait_indirect_dma semaphore(%arg7 : memref<!tpu.dma_semaphore, #tpu.memory_space<semaphore_mem>>) src(%dma_wait3A_40 : memref<8192x256xf32, #tpu.memory_space<hbm>>) dst(%arg6 : memref<128x256xf32, #tpu.memory_space<vmem>>)
    "tpu.region"() ({
      %run_scoped3A = tpu.sem_alloc : memref<!tpu.dma_semaphore, #tpu.memory_space<semaphore_mem>>
      %dma_start3A_65 = arith.constant 0 : i32
      %dma_start3A_66 = tpu.memref_slice %arg4[%add3A_34, %dma_start3A_65] : memref<32768x256xf32, #tpu.memory_space<hbm>> -> memref<128x256xf32, #tpu.memory_space<hbm>>
      %dma_start3A_67 = arith.constant 0 : i32
      %dma_start3A_68 = tpu.memref_slice %arg4[%add3A_34, %dma_start3A_67] : memref<32768x256xf32, #tpu.memory_space<hbm>> -> memref<128x256xf32, #tpu.memory_space<hbm>>
      tpu.enqueue_dma source(%arg6 : memref<128x256xf32, #tpu.memory_space<vmem>>) target(%dma_start3A_68 : memref<128x256xf32, #tpu.memory_space<hbm>>) target_semaphore(%run_scoped3A : memref<!tpu.dma_semaphore, #tpu.memory_space<semaphore_mem>>)
      %dma_wait3A_69 = arith.constant 0 : i32
      %dma_wait3A_70 = tpu.memref_slice %arg4[%add3A_34, %dma_wait3A_69] : memref<32768x256xf32, #tpu.memory_space<hbm>> -> memref<128x256xf32, #tpu.memory_space<hbm>>
      %dma_wait3A_71 = arith.constant 0 : i32
      %dma_wait3A_72 = tpu.memref_slice %arg4[%add3A_34, %dma_wait3A_71] : memref<32768x256xf32, #tpu.memory_space<hbm>> -> memref<128x256xf32, #tpu.memory_space<hbm>>
      tpu.wait_dma2 semaphore(%run_scoped3A : memref<!tpu.dma_semaphore, #tpu.memory_space<semaphore_mem>>) src(%arg6 : memref<128x256xf32, #tpu.memory_space<vmem>>) dst(%dma_wait3A_72 : memref<128x256xf32, #tpu.memory_space<hbm>>)
      tpu.yield
    }) : () -> ()
    %add3A_41 = arith.constant 640 : i32
    %add3A_42 = arith.addi %mul3A_2, %add3A_41 : i32
    "tpu.region"() ({
      %run_scoped3A = tpu.sem_alloc : memref<!tpu.dma_semaphore, #tpu.memory_space<semaphore_mem>>
      %dma_start3A_65 = tpu.memref_slice %arg3[%add3A_42] : memref<32768xi32, #tpu.memory_space<hbm>> -> memref<128xi32, #tpu.memory_space<hbm>>
      %dma_start3A_66 = tpu.memref_slice %arg3[%add3A_42] : memref<32768xi32, #tpu.memory_space<hbm>> -> memref<128xi32, #tpu.memory_space<hbm>>
      tpu.enqueue_dma source(%dma_start3A_66 : memref<128xi32, #tpu.memory_space<hbm>>) target(%arg5 : memref<128xi32, #tpu.memory_space<vmem>>) target_semaphore(%run_scoped3A : memref<!tpu.dma_semaphore, #tpu.memory_space<semaphore_mem>>)
      %dma_wait3A_67 = tpu.memref_slice %arg3[%add3A_42] : memref<32768xi32, #tpu.memory_space<hbm>> -> memref<128xi32, #tpu.memory_space<hbm>>
      %dma_wait3A_68 = tpu.memref_slice %arg3[%add3A_42] : memref<32768xi32, #tpu.memory_space<hbm>> -> memref<128xi32, #tpu.memory_space<hbm>>
      tpu.wait_dma2 semaphore(%run_scoped3A : memref<!tpu.dma_semaphore, #tpu.memory_space<semaphore_mem>>) src(%dma_wait3A_68 : memref<128xi32, #tpu.memory_space<hbm>>) dst(%arg5 : memref<128xi32, #tpu.memory_space<vmem>>)
      tpu.yield
    }) : () -> ()
    %dma_start3A_43 = arith.constant 0 : i32
    %dma_start3A_44 = arith.constant 0 : i32
    %dma_start3A_45 = tpu.memref_slice %arg2[%dma_start3A_43, %dma_start3A_44] : memref<8192x256xf32, #tpu.memory_space<hbm>> -> memref<8192x256xf32, #tpu.memory_space<hbm>>
    tpu.enqueue_indirect_dma source(%dma_start3A_45 : memref<8192x256xf32, #tpu.memory_space<hbm>>) target(%arg6 : memref<128x256xf32, #tpu.memory_space<vmem>>) offsets(%arg5 : memref<128xi32, #tpu.memory_space<vmem>>) semaphore(%arg7 : memref<!tpu.dma_semaphore, #tpu.memory_space<semaphore_mem>>)
    %dma_wait3A_46 = arith.constant 0 : i32
    %dma_wait3A_47 = arith.constant 0 : i32
    %dma_wait3A_48 = tpu.memref_slice %arg2[%dma_wait3A_46, %dma_wait3A_47] : memref<8192x256xf32, #tpu.memory_space<hbm>> -> memref<8192x256xf32, #tpu.memory_space<hbm>>
    tpu.wait_indirect_dma semaphore(%arg7 : memref<!tpu.dma_semaphore, #tpu.memory_space<semaphore_mem>>) src(%dma_wait3A_48 : memref<8192x256xf32, #tpu.memory_space<hbm>>) dst(%arg6 : memref<128x256xf32, #tpu.memory_space<vmem>>)
    "tpu.region"() ({
      %run_scoped3A = tpu.sem_alloc : memref<!tpu.dma_semaphore, #tpu.memory_space<semaphore_mem>>
      %dma_start3A_65 = arith.constant 0 : i32
      %dma_start3A_66 = tpu.memref_slice %arg4[%add3A_42, %dma_start3A_65] : memref<32768x256xf32, #tpu.memory_space<hbm>> -> memref<128x256xf32, #tpu.memory_space<hbm>>
      %dma_start3A_67 = arith.constant 0 : i32
      %dma_start3A_68 = tpu.memref_slice %arg4[%add3A_42, %dma_start3A_67] : memref<32768x256xf32, #tpu.memory_space<hbm>> -> memref<128x256xf32, #tpu.memory_space<hbm>>
      tpu.enqueue_dma source(%arg6 : memref<128x256xf32, #tpu.memory_space<vmem>>) target(%dma_start3A_68 : memref<128x256xf32, #tpu.memory_space<hbm>>) target_semaphore(%run_scoped3A : memref<!tpu.dma_semaphore, #tpu.memory_space<semaphore_mem>>)
      %dma_wait3A_69 = arith.constant 0 : i32
      %dma_wait3A_70 = tpu.memref_slice %arg4[%add3A_42, %dma_wait3A_69] : memref<32768x256xf32, #tpu.memory_space<hbm>> -> memref<128x256xf32, #tpu.memory_space<hbm>>
      %dma_wait3A_71 = arith.constant 0 : i32
      %dma_wait3A_72 = tpu.memref_slice %arg4[%add3A_42, %dma_wait3A_71] : memref<32768x256xf32, #tpu.memory_space<hbm>> -> memref<128x256xf32, #tpu.memory_space<hbm>>
      tpu.wait_dma2 semaphore(%run_scoped3A : memref<!tpu.dma_semaphore, #tpu.memory_space<semaphore_mem>>) src(%arg6 : memref<128x256xf32, #tpu.memory_space<vmem>>) dst(%dma_wait3A_72 : memref<128x256xf32, #tpu.memory_space<hbm>>)
      tpu.yield
    }) : () -> ()
    %add3A_49 = arith.constant 768 : i32
    %add3A_50 = arith.addi %mul3A_2, %add3A_49 : i32
    "tpu.region"() ({
      %run_scoped3A = tpu.sem_alloc : memref<!tpu.dma_semaphore, #tpu.memory_space<semaphore_mem>>
      %dma_start3A_65 = tpu.memref_slice %arg3[%add3A_50] : memref<32768xi32, #tpu.memory_space<hbm>> -> memref<128xi32, #tpu.memory_space<hbm>>
      %dma_start3A_66 = tpu.memref_slice %arg3[%add3A_50] : memref<32768xi32, #tpu.memory_space<hbm>> -> memref<128xi32, #tpu.memory_space<hbm>>
      tpu.enqueue_dma source(%dma_start3A_66 : memref<128xi32, #tpu.memory_space<hbm>>) target(%arg5 : memref<128xi32, #tpu.memory_space<vmem>>) target_semaphore(%run_scoped3A : memref<!tpu.dma_semaphore, #tpu.memory_space<semaphore_mem>>)
      %dma_wait3A_67 = tpu.memref_slice %arg3[%add3A_50] : memref<32768xi32, #tpu.memory_space<hbm>> -> memref<128xi32, #tpu.memory_space<hbm>>
      %dma_wait3A_68 = tpu.memref_slice %arg3[%add3A_50] : memref<32768xi32, #tpu.memory_space<hbm>> -> memref<128xi32, #tpu.memory_space<hbm>>
      tpu.wait_dma2 semaphore(%run_scoped3A : memref<!tpu.dma_semaphore, #tpu.memory_space<semaphore_mem>>) src(%dma_wait3A_68 : memref<128xi32, #tpu.memory_space<hbm>>) dst(%arg5 : memref<128xi32, #tpu.memory_space<vmem>>)
      tpu.yield
    }) : () -> ()
    %dma_start3A_51 = arith.constant 0 : i32
    %dma_start3A_52 = arith.constant 0 : i32
    %dma_start3A_53 = tpu.memref_slice %arg2[%dma_start3A_51, %dma_start3A_52] : memref<8192x256xf32, #tpu.memory_space<hbm>> -> memref<8192x256xf32, #tpu.memory_space<hbm>>
    tpu.enqueue_indirect_dma source(%dma_start3A_53 : memref<8192x256xf32, #tpu.memory_space<hbm>>) target(%arg6 : memref<128x256xf32, #tpu.memory_space<vmem>>) offsets(%arg5 : memref<128xi32, #tpu.memory_space<vmem>>) semaphore(%arg7 : memref<!tpu.dma_semaphore, #tpu.memory_space<semaphore_mem>>)
    %dma_wait3A_54 = arith.constant 0 : i32
    %dma_wait3A_55 = arith.constant 0 : i32
    %dma_wait3A_56 = tpu.memref_slice %arg2[%dma_wait3A_54, %dma_wait3A_55] : memref<8192x256xf32, #tpu.memory_space<hbm>> -> memref<8192x256xf32, #tpu.memory_space<hbm>>
    tpu.wait_indirect_dma semaphore(%arg7 : memref<!tpu.dma_semaphore, #tpu.memory_space<semaphore_mem>>) src(%dma_wait3A_56 : memref<8192x256xf32, #tpu.memory_space<hbm>>) dst(%arg6 : memref<128x256xf32, #tpu.memory_space<vmem>>)
    "tpu.region"() ({
      %run_scoped3A = tpu.sem_alloc : memref<!tpu.dma_semaphore, #tpu.memory_space<semaphore_mem>>
      %dma_start3A_65 = arith.constant 0 : i32
      %dma_start3A_66 = tpu.memref_slice %arg4[%add3A_50, %dma_start3A_65] : memref<32768x256xf32, #tpu.memory_space<hbm>> -> memref<128x256xf32, #tpu.memory_space<hbm>>
      %dma_start3A_67 = arith.constant 0 : i32
      %dma_start3A_68 = tpu.memref_slice %arg4[%add3A_50, %dma_start3A_67] : memref<32768x256xf32, #tpu.memory_space<hbm>> -> memref<128x256xf32, #tpu.memory_space<hbm>>
      tpu.enqueue_dma source(%arg6 : memref<128x256xf32, #tpu.memory_space<vmem>>) target(%dma_start3A_68 : memref<128x256xf32, #tpu.memory_space<hbm>>) target_semaphore(%run_scoped3A : memref<!tpu.dma_semaphore, #tpu.memory_space<semaphore_mem>>)
      %dma_wait3A_69 = arith.constant 0 : i32
      %dma_wait3A_70 = tpu.memref_slice %arg4[%add3A_50, %dma_wait3A_69] : memref<32768x256xf32, #tpu.memory_space<hbm>> -> memref<128x256xf32, #tpu.memory_space<hbm>>
      %dma_wait3A_71 = arith.constant 0 : i32
      %dma_wait3A_72 = tpu.memref_slice %arg4[%add3A_50, %dma_wait3A_71] : memref<32768x256xf32, #tpu.memory_space<hbm>> -> memref<128x256xf32, #tpu.memory_space<hbm>>
      tpu.wait_dma2 semaphore(%run_scoped3A : memref<!tpu.dma_semaphore, #tpu.memory_space<semaphore_mem>>) src(%arg6 : memref<128x256xf32, #tpu.memory_space<vmem>>) dst(%dma_wait3A_72 : memref<128x256xf32, #tpu.memory_space<hbm>>)
      tpu.yield
    }) : () -> ()
    %add3A_57 = arith.constant 896 : i32
    %add3A_58 = arith.addi %mul3A_2, %add3A_57 : i32
    "tpu.region"() ({
      %run_scoped3A = tpu.sem_alloc : memref<!tpu.dma_semaphore, #tpu.memory_space<semaphore_mem>>
      %dma_start3A_65 = tpu.memref_slice %arg3[%add3A_58] : memref<32768xi32, #tpu.memory_space<hbm>> -> memref<128xi32, #tpu.memory_space<hbm>>
      %dma_start3A_66 = tpu.memref_slice %arg3[%add3A_58] : memref<32768xi32, #tpu.memory_space<hbm>> -> memref<128xi32, #tpu.memory_space<hbm>>
      tpu.enqueue_dma source(%dma_start3A_66 : memref<128xi32, #tpu.memory_space<hbm>>) target(%arg5 : memref<128xi32, #tpu.memory_space<vmem>>) target_semaphore(%run_scoped3A : memref<!tpu.dma_semaphore, #tpu.memory_space<semaphore_mem>>)
      %dma_wait3A_67 = tpu.memref_slice %arg3[%add3A_58] : memref<32768xi32, #tpu.memory_space<hbm>> -> memref<128xi32, #tpu.memory_space<hbm>>
      %dma_wait3A_68 = tpu.memref_slice %arg3[%add3A_58] : memref<32768xi32, #tpu.memory_space<hbm>> -> memref<128xi32, #tpu.memory_space<hbm>>
      tpu.wait_dma2 semaphore(%run_scoped3A : memref<!tpu.dma_semaphore, #tpu.memory_space<semaphore_mem>>) src(%dma_wait3A_68 : memref<128xi32, #tpu.memory_space<hbm>>) dst(%arg5 : memref<128xi32, #tpu.memory_space<vmem>>)
      tpu.yield
    }) : () -> ()
    %dma_start3A_59 = arith.constant 0 : i32
    %dma_start3A_60 = arith.constant 0 : i32
    %dma_start3A_61 = tpu.memref_slice %arg2[%dma_start3A_59, %dma_start3A_60] : memref<8192x256xf32, #tpu.memory_space<hbm>> -> memref<8192x256xf32, #tpu.memory_space<hbm>>
    tpu.enqueue_indirect_dma source(%dma_start3A_61 : memref<8192x256xf32, #tpu.memory_space<hbm>>) target(%arg6 : memref<128x256xf32, #tpu.memory_space<vmem>>) offsets(%arg5 : memref<128xi32, #tpu.memory_space<vmem>>) semaphore(%arg7 : memref<!tpu.dma_semaphore, #tpu.memory_space<semaphore_mem>>)
    %dma_wait3A_62 = arith.constant 0 : i32
    %dma_wait3A_63 = arith.constant 0 : i32
    %dma_wait3A_64 = tpu.memref_slice %arg2[%dma_wait3A_62, %dma_wait3A_63] : memref<8192x256xf32, #tpu.memory_space<hbm>> -> memref<8192x256xf32, #tpu.memory_space<hbm>>
    tpu.wait_indirect_dma semaphore(%arg7 : memref<!tpu.dma_semaphore, #tpu.memory_space<semaphore_mem>>) src(%dma_wait3A_64 : memref<8192x256xf32, #tpu.memory_space<hbm>>) dst(%arg6 : memref<128x256xf32, #tpu.memory_space<vmem>>)
    "tpu.region"() ({
      %run_scoped3A = tpu.sem_alloc : memref<!tpu.dma_semaphore, #tpu.memory_space<semaphore_mem>>
      %dma_start3A_65 = arith.constant 0 : i32
      %dma_start3A_66 = tpu.memref_slice %arg4[%add3A_58, %dma_start3A_65] : memref<32768x256xf32, #tpu.memory_space<hbm>> -> memref<128x256xf32, #tpu.memory_space<hbm>>
      %dma_start3A_67 = arith.constant 0 : i32
      %dma_start3A_68 = tpu.memref_slice %arg4[%add3A_58, %dma_start3A_67] : memref<32768x256xf32, #tpu.memory_space<hbm>> -> memref<128x256xf32, #tpu.memory_space<hbm>>
      tpu.enqueue_dma source(%arg6 : memref<128x256xf32, #tpu.memory_space<vmem>>) target(%dma_start3A_68 : memref<128x256xf32, #tpu.memory_space<hbm>>) target_semaphore(%run_scoped3A : memref<!tpu.dma_semaphore, #tpu.memory_space<semaphore_mem>>)
      %dma_wait3A_69 = arith.constant 0 : i32
      %dma_wait3A_70 = tpu.memref_slice %arg4[%add3A_58, %dma_wait3A_69] : memref<32768x256xf32, #tpu.memory_space<hbm>> -> memref<128x256xf32, #tpu.memory_space<hbm>>
      %dma_wait3A_71 = arith.constant 0 : i32
      %dma_wait3A_72 = tpu.memref_slice %arg4[%add3A_58, %dma_wait3A_71] : memref<32768x256xf32, #tpu.memory_space<hbm>> -> memref<128x256xf32, #tpu.memory_space<hbm>>
      tpu.wait_dma2 semaphore(%run_scoped3A : memref<!tpu.dma_semaphore, #tpu.memory_space<semaphore_mem>>) src(%arg6 : memref<128x256xf32, #tpu.memory_space<vmem>>) dst(%dma_wait3A_72 : memref<128x256xf32, #tpu.memory_space<hbm>>)
      tpu.yield
    }) : () -> ()
    return
  }
}

module attributes {stable_mosaic.version = 14 : i64} {
  func.func @_argmin_body(%arg0: i32, %arg1: memref<2048x256xf32, #tpu.memory_space<vmem>>, %arg2: memref<8192x256xf32, #tpu.memory_space<vmem>>, %arg3: memref<1x8192xf32, #tpu.memory_space<vmem>>, %arg4: memref<2048x1xi32, #tpu.memory_space<vmem>>, %arg5: memref<1x1xf32, #tpu.memory_space<vmem>>, %arg6: memref<1xf32, #tpu.memory_space<smem>>) attributes {dimension_semantics = [#tpu.dimension_semantics<arbitrary>], iteration_bounds = array<i64: 16>, scalar_prefetch = 0 : i64, scratch_operands = 1 : i64, tpu.core_type = #tpu.core_type<tc>, window_params = [{transform_indices = @transform_0, window_bounds = array<i64: 2048, 256>}, {pipeline_mode = #tpu.pipeline_mode<synchronous>, transform_indices = @transform_1, window_bounds = array<i64: 8192, 256>}, {pipeline_mode = #tpu.pipeline_mode<synchronous>, transform_indices = @transform_2, window_bounds = array<i64: 1, 8192>}, {transform_indices = @transform_3, window_bounds = array<i64: 2048, 1>}, {pipeline_mode = #tpu.pipeline_mode<synchronous>, transform_indices = @transform_4, window_bounds = array<i64: 1, 1>}]} {
    %get3A = arith.constant 0 : index
    %get3A_0 = arith.constant 0 : index
    %get3A_1 = vector.load %arg1[%get3A, %get3A_0] : memref<2048x256xf32, #tpu.memory_space<vmem>>, vector<2048x256xf32>
    %mul3A = arith.mulf %get3A_1, %get3A_1 : vector<2048x256xf32>
    %reduce_sum3A = arith.constant dense<0.000000e+00> : vector<2048xf32>
    %reduce_sum3A_2 = vector.multi_reduction <add>, %mul3A, %reduce_sum3A [1] : vector<2048x256xf32> to vector<2048xf32>
    %broadcast_in_dim3A = vector.shape_cast %reduce_sum3A_2 : vector<2048xf32> to vector<2048x1xf32>
    %mul3A_3 = arith.constant -2.000000e+00 : f32
    %mul3A_4 = vector.broadcast %mul3A_3 : f32 to vector<2048x256xf32>
    %mul3A_5 = arith.mulf %get3A_1, %mul3A_4 : vector<2048x256xf32>
    %iota3A = tpu.iota {dimensions = array<i32: 1>} : vector<1x1024xi32>
    %convert_element_type3A = arith.sitofp %iota3A : vector<1x1024xi32> to vector<1x1024xf32>
    %get3A_6 = arith.constant 0 : index
    %get3A_7 = arith.constant 0 : index
    %get3A_8 = vector.load %arg2[%get3A_6, %get3A_7] : memref<8192x256xf32, #tpu.memory_space<vmem>>, vector<1024x256xf32>
    %dot_general3A = arith.constant dense<0.000000e+00> : vector<2048x1024xf32>
    %dot_general3A_9 = tpu.matmul %mul3A_5, %get3A_8, %dot_general3A {dimension_numbers = #tpu.dot_dimension_numbers<[1], [1], [0], [0], [0, 0, 1, 0], [], []>, transpose_lhs_hint = false} : vector<2048x256xf32>, vector<1024x256xf32>, vector<2048x1024xf32> -> vector<2048x1024xf32>
    %add3A = vector.broadcast %broadcast_in_dim3A : vector<2048x1xf32> to vector<2048x1024xf32>
    %add3A_10 = arith.addf %add3A, %dot_general3A_9 : vector<2048x1024xf32>
    %get3A_11 = arith.constant 0 : index
    %get3A_12 = arith.constant 0 : index
    %get3A_13 = vector.load %arg3[%get3A_11, %get3A_12] : memref<1x8192xf32, #tpu.memory_space<vmem>>, vector<1x1024xf32>
    %add3A_14 = vector.broadcast %get3A_13 : vector<1x1024xf32> to vector<2048x1024xf32>
    %add3A_15 = arith.addf %add3A_10, %add3A_14 : vector<2048x1024xf32>
    %reduce_min3A = arith.constant dense<0x7F800000> : vector<2048xf32>
    %reduce_min3A_16 = vector.multi_reduction <minimumf>, %add3A_15, %reduce_min3A [1] : vector<2048x1024xf32> to vector<2048xf32>
    %broadcast_in_dim3A_17 = vector.shape_cast %reduce_min3A_16 : vector<2048xf32> to vector<2048x1xf32>
    %eq3A = vector.broadcast %broadcast_in_dim3A_17 : vector<2048x1xf32> to vector<2048x1024xf32>
    %eq3A_18 = arith.cmpf oeq, %add3A_15, %eq3A : vector<2048x1024xf32>
    %jit3A = arith.constant 1.024000e+03 : f32
    %broadcast_in_dim3A_19 = vector.shape_cast %convert_element_type3A : vector<1x1024xf32> to vector<1x1024xf32>
    %broadcast_in_dim3A_20 = vector.broadcast %broadcast_in_dim3A_19 : vector<1x1024xf32> to vector<2048x1024xf32>
    %broadcast_in_dim3A_21 = vector.broadcast %jit3A : f32 to vector<2048x1024xf32>
    %select_n3A = arith.select %eq3A_18, %broadcast_in_dim3A_20, %broadcast_in_dim3A_21 : vector<2048x1024xi1>, vector<2048x1024xf32>
    %reduce_min3A_22 = arith.constant dense<0x7F800000> : vector<2048xf32>
    %reduce_min3A_23 = vector.multi_reduction <minimumf>, %select_n3A, %reduce_min3A_22 [1] : vector<2048x1024xf32> to vector<2048xf32>
    %broadcast_in_dim3A_24 = vector.shape_cast %reduce_min3A_23 : vector<2048xf32> to vector<2048x1xf32>
    %add3A_25 = arith.constant 0.000000e+00 : f32
    %add3A_26 = vector.broadcast %add3A_25 : f32 to vector<2048x1xf32>
    %add3A_27 = arith.addf %broadcast_in_dim3A_24, %add3A_26 : vector<2048x1xf32>
    %get3A_28 = arith.constant 1024 : index
    %get3A_29 = arith.constant 0 : index
    %get3A_30 = vector.load %arg2[%get3A_28, %get3A_29] : memref<8192x256xf32, #tpu.memory_space<vmem>>, vector<1024x256xf32>
    %dot_general3A_31 = arith.constant dense<0.000000e+00> : vector<2048x1024xf32>
    %dot_general3A_32 = tpu.matmul %mul3A_5, %get3A_30, %dot_general3A_31 {dimension_numbers = #tpu.dot_dimension_numbers<[1], [1], [0], [0], [0, 0, 1, 0], [], []>, transpose_lhs_hint = false} : vector<2048x256xf32>, vector<1024x256xf32>, vector<2048x1024xf32> -> vector<2048x1024xf32>
    %add3A_33 = vector.broadcast %broadcast_in_dim3A : vector<2048x1xf32> to vector<2048x1024xf32>
    %add3A_34 = arith.addf %add3A_33, %dot_general3A_32 : vector<2048x1024xf32>
    %get3A_35 = arith.constant 0 : index
    %get3A_36 = arith.constant 1024 : index
    %get3A_37 = vector.load %arg3[%get3A_35, %get3A_36] : memref<1x8192xf32, #tpu.memory_space<vmem>>, vector<1x1024xf32>
    %add3A_38 = vector.broadcast %get3A_37 : vector<1x1024xf32> to vector<2048x1024xf32>
    %add3A_39 = arith.addf %add3A_34, %add3A_38 : vector<2048x1024xf32>
    %reduce_min3A_40 = arith.constant dense<0x7F800000> : vector<2048xf32>
    %reduce_min3A_41 = vector.multi_reduction <minimumf>, %add3A_39, %reduce_min3A_40 [1] : vector<2048x1024xf32> to vector<2048xf32>
    %broadcast_in_dim3A_42 = vector.shape_cast %reduce_min3A_41 : vector<2048xf32> to vector<2048x1xf32>
    %eq3A_43 = vector.broadcast %broadcast_in_dim3A_42 : vector<2048x1xf32> to vector<2048x1024xf32>
    %eq3A_44 = arith.cmpf oeq, %add3A_39, %eq3A_43 : vector<2048x1024xf32>
    %jit3A_45 = arith.constant 1.024000e+03 : f32
    %broadcast_in_dim3A_46 = vector.shape_cast %convert_element_type3A : vector<1x1024xf32> to vector<1x1024xf32>
    %broadcast_in_dim3A_47 = vector.broadcast %broadcast_in_dim3A_46 : vector<1x1024xf32> to vector<2048x1024xf32>
    %broadcast_in_dim3A_48 = vector.broadcast %jit3A_45 : f32 to vector<2048x1024xf32>
    %select_n3A_49 = arith.select %eq3A_44, %broadcast_in_dim3A_47, %broadcast_in_dim3A_48 : vector<2048x1024xi1>, vector<2048x1024xf32>
    %reduce_min3A_50 = arith.constant dense<0x7F800000> : vector<2048xf32>
    %reduce_min3A_51 = vector.multi_reduction <minimumf>, %select_n3A_49, %reduce_min3A_50 [1] : vector<2048x1024xf32> to vector<2048xf32>
    %broadcast_in_dim3A_52 = vector.shape_cast %reduce_min3A_51 : vector<2048xf32> to vector<2048x1xf32>
    %add3A_53 = arith.constant 1.024000e+03 : f32
    %add3A_54 = vector.broadcast %add3A_53 : f32 to vector<2048x1xf32>
    %add3A_55 = arith.addf %broadcast_in_dim3A_52, %add3A_54 : vector<2048x1xf32>
    %lt3A = arith.cmpf olt, %broadcast_in_dim3A_42, %broadcast_in_dim3A_17 : vector<2048x1xf32>
    %select_n3A_56 = arith.select %lt3A, %broadcast_in_dim3A_42, %broadcast_in_dim3A_17 : vector<2048x1xi1>, vector<2048x1xf32>
    %select_n3A_57 = arith.select %lt3A, %add3A_55, %add3A_27 : vector<2048x1xi1>, vector<2048x1xf32>
    %get3A_58 = arith.constant 2048 : index
    %get3A_59 = arith.constant 0 : index
    %get3A_60 = vector.load %arg2[%get3A_58, %get3A_59] : memref<8192x256xf32, #tpu.memory_space<vmem>>, vector<1024x256xf32>
    %dot_general3A_61 = arith.constant dense<0.000000e+00> : vector<2048x1024xf32>
    %dot_general3A_62 = tpu.matmul %mul3A_5, %get3A_60, %dot_general3A_61 {dimension_numbers = #tpu.dot_dimension_numbers<[1], [1], [0], [0], [0, 0, 1, 0], [], []>, transpose_lhs_hint = false} : vector<2048x256xf32>, vector<1024x256xf32>, vector<2048x1024xf32> -> vector<2048x1024xf32>
    %add3A_63 = vector.broadcast %broadcast_in_dim3A : vector<2048x1xf32> to vector<2048x1024xf32>
    %add3A_64 = arith.addf %add3A_63, %dot_general3A_62 : vector<2048x1024xf32>
    %get3A_65 = arith.constant 0 : index
    %get3A_66 = arith.constant 2048 : index
    %get3A_67 = vector.load %arg3[%get3A_65, %get3A_66] : memref<1x8192xf32, #tpu.memory_space<vmem>>, vector<1x1024xf32>
    %add3A_68 = vector.broadcast %get3A_67 : vector<1x1024xf32> to vector<2048x1024xf32>
    %add3A_69 = arith.addf %add3A_64, %add3A_68 : vector<2048x1024xf32>
    %reduce_min3A_70 = arith.constant dense<0x7F800000> : vector<2048xf32>
    %reduce_min3A_71 = vector.multi_reduction <minimumf>, %add3A_69, %reduce_min3A_70 [1] : vector<2048x1024xf32> to vector<2048xf32>
    %broadcast_in_dim3A_72 = vector.shape_cast %reduce_min3A_71 : vector<2048xf32> to vector<2048x1xf32>
    %eq3A_73 = vector.broadcast %broadcast_in_dim3A_72 : vector<2048x1xf32> to vector<2048x1024xf32>
    %eq3A_74 = arith.cmpf oeq, %add3A_69, %eq3A_73 : vector<2048x1024xf32>
    %jit3A_75 = arith.constant 1.024000e+03 : f32
    %broadcast_in_dim3A_76 = vector.shape_cast %convert_element_type3A : vector<1x1024xf32> to vector<1x1024xf32>
    %broadcast_in_dim3A_77 = vector.broadcast %broadcast_in_dim3A_76 : vector<1x1024xf32> to vector<2048x1024xf32>
    %broadcast_in_dim3A_78 = vector.broadcast %jit3A_75 : f32 to vector<2048x1024xf32>
    %select_n3A_79 = arith.select %eq3A_74, %broadcast_in_dim3A_77, %broadcast_in_dim3A_78 : vector<2048x1024xi1>, vector<2048x1024xf32>
    %reduce_min3A_80 = arith.constant dense<0x7F800000> : vector<2048xf32>
    %reduce_min3A_81 = vector.multi_reduction <minimumf>, %select_n3A_79, %reduce_min3A_80 [1] : vector<2048x1024xf32> to vector<2048xf32>
    %broadcast_in_dim3A_82 = vector.shape_cast %reduce_min3A_81 : vector<2048xf32> to vector<2048x1xf32>
    %add3A_83 = arith.constant 2.048000e+03 : f32
    %add3A_84 = vector.broadcast %add3A_83 : f32 to vector<2048x1xf32>
    %add3A_85 = arith.addf %broadcast_in_dim3A_82, %add3A_84 : vector<2048x1xf32>
    %lt3A_86 = arith.cmpf olt, %broadcast_in_dim3A_72, %select_n3A_56 : vector<2048x1xf32>
    %select_n3A_87 = arith.select %lt3A_86, %broadcast_in_dim3A_72, %select_n3A_56 : vector<2048x1xi1>, vector<2048x1xf32>
    %select_n3A_88 = arith.select %lt3A_86, %add3A_85, %select_n3A_57 : vector<2048x1xi1>, vector<2048x1xf32>
    %get3A_89 = arith.constant 3072 : index
    %get3A_90 = arith.constant 0 : index
    %get3A_91 = vector.load %arg2[%get3A_89, %get3A_90] : memref<8192x256xf32, #tpu.memory_space<vmem>>, vector<1024x256xf32>
    %dot_general3A_92 = arith.constant dense<0.000000e+00> : vector<2048x1024xf32>
    %dot_general3A_93 = tpu.matmul %mul3A_5, %get3A_91, %dot_general3A_92 {dimension_numbers = #tpu.dot_dimension_numbers<[1], [1], [0], [0], [0, 0, 1, 0], [], []>, transpose_lhs_hint = false} : vector<2048x256xf32>, vector<1024x256xf32>, vector<2048x1024xf32> -> vector<2048x1024xf32>
    %add3A_94 = vector.broadcast %broadcast_in_dim3A : vector<2048x1xf32> to vector<2048x1024xf32>
    %add3A_95 = arith.addf %add3A_94, %dot_general3A_93 : vector<2048x1024xf32>
    %get3A_96 = arith.constant 0 : index
    %get3A_97 = arith.constant 3072 : index
    %get3A_98 = vector.load %arg3[%get3A_96, %get3A_97] : memref<1x8192xf32, #tpu.memory_space<vmem>>, vector<1x1024xf32>
    %add3A_99 = vector.broadcast %get3A_98 : vector<1x1024xf32> to vector<2048x1024xf32>
    %add3A_100 = arith.addf %add3A_95, %add3A_99 : vector<2048x1024xf32>
    %reduce_min3A_101 = arith.constant dense<0x7F800000> : vector<2048xf32>
    %reduce_min3A_102 = vector.multi_reduction <minimumf>, %add3A_100, %reduce_min3A_101 [1] : vector<2048x1024xf32> to vector<2048xf32>
    %broadcast_in_dim3A_103 = vector.shape_cast %reduce_min3A_102 : vector<2048xf32> to vector<2048x1xf32>
    %eq3A_104 = vector.broadcast %broadcast_in_dim3A_103 : vector<2048x1xf32> to vector<2048x1024xf32>
    %eq3A_105 = arith.cmpf oeq, %add3A_100, %eq3A_104 : vector<2048x1024xf32>
    %jit3A_106 = arith.constant 1.024000e+03 : f32
    %broadcast_in_dim3A_107 = vector.shape_cast %convert_element_type3A : vector<1x1024xf32> to vector<1x1024xf32>
    %broadcast_in_dim3A_108 = vector.broadcast %broadcast_in_dim3A_107 : vector<1x1024xf32> to vector<2048x1024xf32>
    %broadcast_in_dim3A_109 = vector.broadcast %jit3A_106 : f32 to vector<2048x1024xf32>
    %select_n3A_110 = arith.select %eq3A_105, %broadcast_in_dim3A_108, %broadcast_in_dim3A_109 : vector<2048x1024xi1>, vector<2048x1024xf32>
    %reduce_min3A_111 = arith.constant dense<0x7F800000> : vector<2048xf32>
    %reduce_min3A_112 = vector.multi_reduction <minimumf>, %select_n3A_110, %reduce_min3A_111 [1] : vector<2048x1024xf32> to vector<2048xf32>
    %broadcast_in_dim3A_113 = vector.shape_cast %reduce_min3A_112 : vector<2048xf32> to vector<2048x1xf32>
    %add3A_114 = arith.constant 3.072000e+03 : f32
    %add3A_115 = vector.broadcast %add3A_114 : f32 to vector<2048x1xf32>
    %add3A_116 = arith.addf %broadcast_in_dim3A_113, %add3A_115 : vector<2048x1xf32>
    %lt3A_117 = arith.cmpf olt, %broadcast_in_dim3A_103, %select_n3A_87 : vector<2048x1xf32>
    %select_n3A_118 = arith.select %lt3A_117, %broadcast_in_dim3A_103, %select_n3A_87 : vector<2048x1xi1>, vector<2048x1xf32>
    %select_n3A_119 = arith.select %lt3A_117, %add3A_116, %select_n3A_88 : vector<2048x1xi1>, vector<2048x1xf32>
    %get3A_120 = arith.constant 4096 : index
    %get3A_121 = arith.constant 0 : index
    %get3A_122 = vector.load %arg2[%get3A_120, %get3A_121] : memref<8192x256xf32, #tpu.memory_space<vmem>>, vector<1024x256xf32>
    %dot_general3A_123 = arith.constant dense<0.000000e+00> : vector<2048x1024xf32>
    %dot_general3A_124 = tpu.matmul %mul3A_5, %get3A_122, %dot_general3A_123 {dimension_numbers = #tpu.dot_dimension_numbers<[1], [1], [0], [0], [0, 0, 1, 0], [], []>, transpose_lhs_hint = false} : vector<2048x256xf32>, vector<1024x256xf32>, vector<2048x1024xf32> -> vector<2048x1024xf32>
    %add3A_125 = vector.broadcast %broadcast_in_dim3A : vector<2048x1xf32> to vector<2048x1024xf32>
    %add3A_126 = arith.addf %add3A_125, %dot_general3A_124 : vector<2048x1024xf32>
    %get3A_127 = arith.constant 0 : index
    %get3A_128 = arith.constant 4096 : index
    %get3A_129 = vector.load %arg3[%get3A_127, %get3A_128] : memref<1x8192xf32, #tpu.memory_space<vmem>>, vector<1x1024xf32>
    %add3A_130 = vector.broadcast %get3A_129 : vector<1x1024xf32> to vector<2048x1024xf32>
    %add3A_131 = arith.addf %add3A_126, %add3A_130 : vector<2048x1024xf32>
    %reduce_min3A_132 = arith.constant dense<0x7F800000> : vector<2048xf32>
    %reduce_min3A_133 = vector.multi_reduction <minimumf>, %add3A_131, %reduce_min3A_132 [1] : vector<2048x1024xf32> to vector<2048xf32>
    %broadcast_in_dim3A_134 = vector.shape_cast %reduce_min3A_133 : vector<2048xf32> to vector<2048x1xf32>
    %eq3A_135 = vector.broadcast %broadcast_in_dim3A_134 : vector<2048x1xf32> to vector<2048x1024xf32>
    %eq3A_136 = arith.cmpf oeq, %add3A_131, %eq3A_135 : vector<2048x1024xf32>
    %jit3A_137 = arith.constant 1.024000e+03 : f32
    %broadcast_in_dim3A_138 = vector.shape_cast %convert_element_type3A : vector<1x1024xf32> to vector<1x1024xf32>
    %broadcast_in_dim3A_139 = vector.broadcast %broadcast_in_dim3A_138 : vector<1x1024xf32> to vector<2048x1024xf32>
    %broadcast_in_dim3A_140 = vector.broadcast %jit3A_137 : f32 to vector<2048x1024xf32>
    %select_n3A_141 = arith.select %eq3A_136, %broadcast_in_dim3A_139, %broadcast_in_dim3A_140 : vector<2048x1024xi1>, vector<2048x1024xf32>
    %reduce_min3A_142 = arith.constant dense<0x7F800000> : vector<2048xf32>
    %reduce_min3A_143 = vector.multi_reduction <minimumf>, %select_n3A_141, %reduce_min3A_142 [1] : vector<2048x1024xf32> to vector<2048xf32>
    %broadcast_in_dim3A_144 = vector.shape_cast %reduce_min3A_143 : vector<2048xf32> to vector<2048x1xf32>
    %add3A_145 = arith.constant 4.096000e+03 : f32
    %add3A_146 = vector.broadcast %add3A_145 : f32 to vector<2048x1xf32>
    %add3A_147 = arith.addf %broadcast_in_dim3A_144, %add3A_146 : vector<2048x1xf32>
    %lt3A_148 = arith.cmpf olt, %broadcast_in_dim3A_134, %select_n3A_118 : vector<2048x1xf32>
    %select_n3A_149 = arith.select %lt3A_148, %broadcast_in_dim3A_134, %select_n3A_118 : vector<2048x1xi1>, vector<2048x1xf32>
    %select_n3A_150 = arith.select %lt3A_148, %add3A_147, %select_n3A_119 : vector<2048x1xi1>, vector<2048x1xf32>
    %get3A_151 = arith.constant 5120 : index
    %get3A_152 = arith.constant 0 : index
    %get3A_153 = vector.load %arg2[%get3A_151, %get3A_152] : memref<8192x256xf32, #tpu.memory_space<vmem>>, vector<1024x256xf32>
    %dot_general3A_154 = arith.constant dense<0.000000e+00> : vector<2048x1024xf32>
    %dot_general3A_155 = tpu.matmul %mul3A_5, %get3A_153, %dot_general3A_154 {dimension_numbers = #tpu.dot_dimension_numbers<[1], [1], [0], [0], [0, 0, 1, 0], [], []>, transpose_lhs_hint = false} : vector<2048x256xf32>, vector<1024x256xf32>, vector<2048x1024xf32> -> vector<2048x1024xf32>
    %add3A_156 = vector.broadcast %broadcast_in_dim3A : vector<2048x1xf32> to vector<2048x1024xf32>
    %add3A_157 = arith.addf %add3A_156, %dot_general3A_155 : vector<2048x1024xf32>
    %get3A_158 = arith.constant 0 : index
    %get3A_159 = arith.constant 5120 : index
    %get3A_160 = vector.load %arg3[%get3A_158, %get3A_159] : memref<1x8192xf32, #tpu.memory_space<vmem>>, vector<1x1024xf32>
    %add3A_161 = vector.broadcast %get3A_160 : vector<1x1024xf32> to vector<2048x1024xf32>
    %add3A_162 = arith.addf %add3A_157, %add3A_161 : vector<2048x1024xf32>
    %reduce_min3A_163 = arith.constant dense<0x7F800000> : vector<2048xf32>
    %reduce_min3A_164 = vector.multi_reduction <minimumf>, %add3A_162, %reduce_min3A_163 [1] : vector<2048x1024xf32> to vector<2048xf32>
    %broadcast_in_dim3A_165 = vector.shape_cast %reduce_min3A_164 : vector<2048xf32> to vector<2048x1xf32>
    %eq3A_166 = vector.broadcast %broadcast_in_dim3A_165 : vector<2048x1xf32> to vector<2048x1024xf32>
    %eq3A_167 = arith.cmpf oeq, %add3A_162, %eq3A_166 : vector<2048x1024xf32>
    %jit3A_168 = arith.constant 1.024000e+03 : f32
    %broadcast_in_dim3A_169 = vector.shape_cast %convert_element_type3A : vector<1x1024xf32> to vector<1x1024xf32>
    %broadcast_in_dim3A_170 = vector.broadcast %broadcast_in_dim3A_169 : vector<1x1024xf32> to vector<2048x1024xf32>
    %broadcast_in_dim3A_171 = vector.broadcast %jit3A_168 : f32 to vector<2048x1024xf32>
    %select_n3A_172 = arith.select %eq3A_167, %broadcast_in_dim3A_170, %broadcast_in_dim3A_171 : vector<2048x1024xi1>, vector<2048x1024xf32>
    %reduce_min3A_173 = arith.constant dense<0x7F800000> : vector<2048xf32>
    %reduce_min3A_174 = vector.multi_reduction <minimumf>, %select_n3A_172, %reduce_min3A_173 [1] : vector<2048x1024xf32> to vector<2048xf32>
    %broadcast_in_dim3A_175 = vector.shape_cast %reduce_min3A_174 : vector<2048xf32> to vector<2048x1xf32>
    %add3A_176 = arith.constant 5.120000e+03 : f32
    %add3A_177 = vector.broadcast %add3A_176 : f32 to vector<2048x1xf32>
    %add3A_178 = arith.addf %broadcast_in_dim3A_175, %add3A_177 : vector<2048x1xf32>
    %lt3A_179 = arith.cmpf olt, %broadcast_in_dim3A_165, %select_n3A_149 : vector<2048x1xf32>
    %select_n3A_180 = arith.select %lt3A_179, %broadcast_in_dim3A_165, %select_n3A_149 : vector<2048x1xi1>, vector<2048x1xf32>
    %select_n3A_181 = arith.select %lt3A_179, %add3A_178, %select_n3A_150 : vector<2048x1xi1>, vector<2048x1xf32>
    %get3A_182 = arith.constant 6144 : index
    %get3A_183 = arith.constant 0 : index
    %get3A_184 = vector.load %arg2[%get3A_182, %get3A_183] : memref<8192x256xf32, #tpu.memory_space<vmem>>, vector<1024x256xf32>
    %dot_general3A_185 = arith.constant dense<0.000000e+00> : vector<2048x1024xf32>
    %dot_general3A_186 = tpu.matmul %mul3A_5, %get3A_184, %dot_general3A_185 {dimension_numbers = #tpu.dot_dimension_numbers<[1], [1], [0], [0], [0, 0, 1, 0], [], []>, transpose_lhs_hint = false} : vector<2048x256xf32>, vector<1024x256xf32>, vector<2048x1024xf32> -> vector<2048x1024xf32>
    %add3A_187 = vector.broadcast %broadcast_in_dim3A : vector<2048x1xf32> to vector<2048x1024xf32>
    %add3A_188 = arith.addf %add3A_187, %dot_general3A_186 : vector<2048x1024xf32>
    %get3A_189 = arith.constant 0 : index
    %get3A_190 = arith.constant 6144 : index
    %get3A_191 = vector.load %arg3[%get3A_189, %get3A_190] : memref<1x8192xf32, #tpu.memory_space<vmem>>, vector<1x1024xf32>
    %add3A_192 = vector.broadcast %get3A_191 : vector<1x1024xf32> to vector<2048x1024xf32>
    %add3A_193 = arith.addf %add3A_188, %add3A_192 : vector<2048x1024xf32>
    %reduce_min3A_194 = arith.constant dense<0x7F800000> : vector<2048xf32>
    %reduce_min3A_195 = vector.multi_reduction <minimumf>, %add3A_193, %reduce_min3A_194 [1] : vector<2048x1024xf32> to vector<2048xf32>
    %broadcast_in_dim3A_196 = vector.shape_cast %reduce_min3A_195 : vector<2048xf32> to vector<2048x1xf32>
    %eq3A_197 = vector.broadcast %broadcast_in_dim3A_196 : vector<2048x1xf32> to vector<2048x1024xf32>
    %eq3A_198 = arith.cmpf oeq, %add3A_193, %eq3A_197 : vector<2048x1024xf32>
    %jit3A_199 = arith.constant 1.024000e+03 : f32
    %broadcast_in_dim3A_200 = vector.shape_cast %convert_element_type3A : vector<1x1024xf32> to vector<1x1024xf32>
    %broadcast_in_dim3A_201 = vector.broadcast %broadcast_in_dim3A_200 : vector<1x1024xf32> to vector<2048x1024xf32>
    %broadcast_in_dim3A_202 = vector.broadcast %jit3A_199 : f32 to vector<2048x1024xf32>
    %select_n3A_203 = arith.select %eq3A_198, %broadcast_in_dim3A_201, %broadcast_in_dim3A_202 : vector<2048x1024xi1>, vector<2048x1024xf32>
    %reduce_min3A_204 = arith.constant dense<0x7F800000> : vector<2048xf32>
    %reduce_min3A_205 = vector.multi_reduction <minimumf>, %select_n3A_203, %reduce_min3A_204 [1] : vector<2048x1024xf32> to vector<2048xf32>
    %broadcast_in_dim3A_206 = vector.shape_cast %reduce_min3A_205 : vector<2048xf32> to vector<2048x1xf32>
    %add3A_207 = arith.constant 6.144000e+03 : f32
    %add3A_208 = vector.broadcast %add3A_207 : f32 to vector<2048x1xf32>
    %add3A_209 = arith.addf %broadcast_in_dim3A_206, %add3A_208 : vector<2048x1xf32>
    %lt3A_210 = arith.cmpf olt, %broadcast_in_dim3A_196, %select_n3A_180 : vector<2048x1xf32>
    %select_n3A_211 = arith.select %lt3A_210, %broadcast_in_dim3A_196, %select_n3A_180 : vector<2048x1xi1>, vector<2048x1xf32>
    %select_n3A_212 = arith.select %lt3A_210, %add3A_209, %select_n3A_181 : vector<2048x1xi1>, vector<2048x1xf32>
    %get3A_213 = arith.constant 7168 : index
    %get3A_214 = arith.constant 0 : index
    %get3A_215 = vector.load %arg2[%get3A_213, %get3A_214] : memref<8192x256xf32, #tpu.memory_space<vmem>>, vector<1024x256xf32>
    %dot_general3A_216 = arith.constant dense<0.000000e+00> : vector<2048x1024xf32>
    %dot_general3A_217 = tpu.matmul %mul3A_5, %get3A_215, %dot_general3A_216 {dimension_numbers = #tpu.dot_dimension_numbers<[1], [1], [0], [0], [0, 0, 1, 0], [], []>, transpose_lhs_hint = false} : vector<2048x256xf32>, vector<1024x256xf32>, vector<2048x1024xf32> -> vector<2048x1024xf32>
    %add3A_218 = vector.broadcast %broadcast_in_dim3A : vector<2048x1xf32> to vector<2048x1024xf32>
    %add3A_219 = arith.addf %add3A_218, %dot_general3A_217 : vector<2048x1024xf32>
    %get3A_220 = arith.constant 0 : index
    %get3A_221 = arith.constant 7168 : index
    %get3A_222 = vector.load %arg3[%get3A_220, %get3A_221] : memref<1x8192xf32, #tpu.memory_space<vmem>>, vector<1x1024xf32>
    %add3A_223 = vector.broadcast %get3A_222 : vector<1x1024xf32> to vector<2048x1024xf32>
    %add3A_224 = arith.addf %add3A_219, %add3A_223 : vector<2048x1024xf32>
    %reduce_min3A_225 = arith.constant dense<0x7F800000> : vector<2048xf32>
    %reduce_min3A_226 = vector.multi_reduction <minimumf>, %add3A_224, %reduce_min3A_225 [1] : vector<2048x1024xf32> to vector<2048xf32>
    %broadcast_in_dim3A_227 = vector.shape_cast %reduce_min3A_226 : vector<2048xf32> to vector<2048x1xf32>
    %eq3A_228 = vector.broadcast %broadcast_in_dim3A_227 : vector<2048x1xf32> to vector<2048x1024xf32>
    %eq3A_229 = arith.cmpf oeq, %add3A_224, %eq3A_228 : vector<2048x1024xf32>
    %jit3A_230 = arith.constant 1.024000e+03 : f32
    %broadcast_in_dim3A_231 = vector.shape_cast %convert_element_type3A : vector<1x1024xf32> to vector<1x1024xf32>
    %broadcast_in_dim3A_232 = vector.broadcast %broadcast_in_dim3A_231 : vector<1x1024xf32> to vector<2048x1024xf32>
    %broadcast_in_dim3A_233 = vector.broadcast %jit3A_230 : f32 to vector<2048x1024xf32>
    %select_n3A_234 = arith.select %eq3A_229, %broadcast_in_dim3A_232, %broadcast_in_dim3A_233 : vector<2048x1024xi1>, vector<2048x1024xf32>
    %reduce_min3A_235 = arith.constant dense<0x7F800000> : vector<2048xf32>
    %reduce_min3A_236 = vector.multi_reduction <minimumf>, %select_n3A_234, %reduce_min3A_235 [1] : vector<2048x1024xf32> to vector<2048xf32>
    %broadcast_in_dim3A_237 = vector.shape_cast %reduce_min3A_236 : vector<2048xf32> to vector<2048x1xf32>
    %add3A_238 = arith.constant 7.168000e+03 : f32
    %add3A_239 = vector.broadcast %add3A_238 : f32 to vector<2048x1xf32>
    %add3A_240 = arith.addf %broadcast_in_dim3A_237, %add3A_239 : vector<2048x1xf32>
    %lt3A_241 = arith.cmpf olt, %broadcast_in_dim3A_227, %select_n3A_211 : vector<2048x1xf32>
    %select_n3A_242 = arith.select %lt3A_241, %broadcast_in_dim3A_227, %select_n3A_211 : vector<2048x1xi1>, vector<2048x1xf32>
    %select_n3A_243 = arith.select %lt3A_241, %add3A_240, %select_n3A_212 : vector<2048x1xi1>, vector<2048x1xf32>
    %convert_element_type3A_244 = arith.fptosi %select_n3A_243 : vector<2048x1xf32> to vector<2048x1xi32>
    %swap3A = arith.constant 0 : index
    %swap3A_245 = arith.constant 0 : index
    %swap3A_246 = vector.load %arg4[%swap3A, %swap3A_245] : memref<2048x1xi32, #tpu.memory_space<vmem>>, vector<2048x1xi32>
    tpu.vector_store %arg4[%swap3A, %swap3A_245], %convert_element_type3A_244 {strides = array<i32>} : memref<2048x1xi32, #tpu.memory_space<vmem>>, vector<2048x1xi32>,
    %reduce_sum3A_247 = vector.shape_cast %select_n3A_242 : vector<2048x1xf32> to vector<1x2048x1xf32>
    %reduce_sum3A_248 = arith.constant dense<0.000000e+00> : vector<1xf32>
    %reduce_sum3A_249 = vector.multi_reduction <add>, %reduce_sum3A_247, %reduce_sum3A_248 [1, 2] : vector<1x2048x1xf32> to vector<1xf32>
    %reduce_sum3A_250 = vector.shape_cast %reduce_sum3A_249 : vector<1xf32> to vector<1x1x1xf32>
    %reduce_sum3A_251 = vector.extract %reduce_sum3A_250[0, 0, 0] : f32 from vector<1x1x1xf32>
    %eq3A_252 = arith.constant 0 : i32
    %eq3A_253 = arith.cmpi eq, %arg0, %eq3A_252 : i32
    %convert_element_type3A_254 = arith.extui %eq3A_253 : i1 to i32
    %cond3A = arith.constant 0 : i32
    %cond3A_255 = arith.cmpi ne, %convert_element_type3A_254, %cond3A : i32
    scf.if %cond3A_255 {
      %swap3A_265 = arith.constant 0 : index
      %swap3A_266 = memref.load %arg6[%swap3A_265] : memref<1xf32, #tpu.memory_space<smem>>
      memref.store %reduce_sum3A_251, %arg6[%swap3A_265] : memref<1xf32, #tpu.memory_space<smem>>
    } else {
    }
    %gt3A = arith.constant 0 : i32
    %gt3A_256 = arith.cmpi sgt, %arg0, %gt3A : i32
    %convert_element_type3A_257 = arith.extui %gt3A_256 : i1 to i32
    %cond3A_258 = arith.constant 0 : i32
    %cond3A_259 = arith.cmpi ne, %convert_element_type3A_257, %cond3A_258 : i32
    scf.if %cond3A_259 {
      %get3A_265 = arith.constant 0 : index
      %get3A_266 = memref.load %arg6[%get3A_265] : memref<1xf32, #tpu.memory_space<smem>>
      %add3A_267 = arith.addf %get3A_266, %reduce_sum3A_251 : f32
      %swap3A_268 = arith.constant 0 : index
      %swap3A_269 = memref.load %arg6[%swap3A_268] : memref<1xf32, #tpu.memory_space<smem>>
      memref.store %add3A_267, %arg6[%swap3A_268] : memref<1xf32, #tpu.memory_space<smem>>
    } else {
    }
    %eq3A_260 = arith.constant 15 : i32
    %eq3A_261 = arith.cmpi eq, %arg0, %eq3A_260 : i32
    %convert_element_type3A_262 = arith.extui %eq3A_261 : i1 to i32
    %cond3A_263 = arith.constant 0 : i32
    %cond3A_264 = arith.cmpi ne, %convert_element_type3A_262, %cond3A_263 : i32
    scf.if %cond3A_264 {
      %get3A_265 = arith.constant 0 : index
      %get3A_266 = memref.load %arg6[%get3A_265] : memref<1xf32, #tpu.memory_space<smem>>
      %broadcast_in_dim3A_267 = vector.broadcast %get3A_266 : f32 to vector<1x1xf32>
      %swap3A_268 = arith.constant 0 : index
      %swap3A_269 = arith.constant 0 : index
      %swap3A_270 = vector.load %arg5[%swap3A_268, %swap3A_269] : memref<1x1xf32, #tpu.memory_space<vmem>>, vector<1x1xf32>
      tpu.vector_store %arg5[%swap3A_268, %swap3A_269], %broadcast_in_dim3A_267 {strides = array<i32>} : memref<1x1xf32, #tpu.memory_space<vmem>>, vector<1x1xf32>,
    } else {
    }
    return
  }
  func.func @transform_0(%arg0: i32) -> (i32, i32) {
    %c0_i32 = arith.constant 0 : i32
    %c0_i32_0 = arith.constant 0 : i32
    return %arg0, %c0_i32 : i32, i32
  }
  func.func @transform_1(%arg0: i32) -> (i32, i32) {
    %c0_i32 = arith.constant 0 : i32
    %c0_i32_0 = arith.constant 0 : i32
    %c0_i32_1 = arith.constant 0 : i32
    return %c0_i32, %c0_i32_0 : i32, i32
  }
  func.func @transform_2(%arg0: i32) -> (i32, i32) {
    %c0_i32 = arith.constant 0 : i32
    %c0_i32_0 = arith.constant 0 : i32
    %c0_i32_1 = arith.constant 0 : i32
    return %c0_i32, %c0_i32_0 : i32, i32
  }
  func.func @transform_3(%arg0: i32) -> (i32, i32) {
    %c0_i32 = arith.constant 0 : i32
    %c0_i32_0 = arith.constant 0 : i32
    return %arg0, %c0_i32 : i32, i32
  }
  func.func @transform_4(%arg0: i32) -> (i32, i32) {
    %c0_i32 = arith.constant 0 : i32
    %c0_i32_0 = arith.constant 0 : i32
    %c0_i32_1 = arith.constant 0 : i32
    return %c0_i32, %c0_i32_0 : i32, i32
  }
}

</mosaic_0001>

<sc_bundles>
// kernel: kernel.4.cloned.1.call-start
scs
__scs_entry_jumppad:
0x0: {  	(pc) =	sbr.rel $0x88, $3  }
0x1: {  	(tag) =	ssettag $0x0;
	lr =	simm.s32 $0x1  }
0x2: {  	[smem:$0x3F9F] =	sst lr;
	_ =	strace $0xD0000000  }
0x3: {  	_ = 	snop  }
0x4: {  	_ = 	snop  }
0x5: {  	_ = 	snop  }
0x6: {  	_ = 	snop  }
0x7: {  	_ = 	snop  }
__scs_overlays_trampoline_lowered:
0x8: {  	[smem:$0x3FAE] =	sst s0  }
0x9: {  	[smem:$0x3FAF] =	sst s1  }
0xa: {  	[smem:$0x3FB0] =	sst s2  }
0xb: {  	[smem:$0x3FB1] =	sst s3  }
0xc: {  	[smem:$0x3FB2] =	sst s4  }
0xd: {  	[smem:$0x3FB3] =	sst s5  }
0xe: {  	[smem:$0x3FB4] =	sst s6  }
0xf: {  	[smem:$0x3FB5] =	sst s7  }
0x10: {  	[smem:$0x3FB6] =	sst s8  }
0x11: {  	[smem:$0x3FB7] =	sst s9;
	s0 =	simm.s32 @!p0 $0x0  }
0x12: {  	s1 =	sld [smem:$0x3F9D];
	s0 =	simm.s32 @p0 $0x1  }
0x13: {  	[smem:$0x3FB8] =	sst s0;
	s0 =	simm.s32 @!p1 $0x0  }
0x14: {  	s2 =	sld [smem:$0x3F9C];
	s0 =	simm.s32 @p1 $0x1  }
0x15: {  	[smem:$0x3FB9] =	sst s0;
	s0 =	simm.s32 @!p2 $0x0  }
0x16: {  	s3 =	sld [smem:$0x3FDB];
	s0 =	simm.s32 @p2 $0x1  }
0x17: {  	s4 =	simm.s32 $0x1BF5;
	[smem:$0x3FBB] =	sst s0  }
0x18: {  	s0 =	sld [smem:$0x3F9E];
	_ =	swait.ge [sflag:s4], $0x0  }
0x19: {  	s7 =	sld [smem:$0x3F9F]  }
0x1a: {  	s8 =	sadd.s32 $0xFFFFE003, lr  }
0x1b: {  	s9 =	sadd.s32 $0xFFFFFEF7, lr;
	s5 =	simm.s32 $0xFFFFFFFF;
	p2 =	slt.u32 s8, $0xFFFFF086  }
0x1c: {  	p1 =	slt.u32 s9, $0xF7A;
	s5 =	simm.s32 @!p2 $0x0  }
0x1d: {  	s5 =	simm.s32 @p1 $0x1;
	p0 =	seq.s32 s7, s2  }
0x1e: {  	s7 =	smul.u32 @!p0 $0xF7A, s2;
	p2 =	seq.s32 @!p0 s5, $0x0  }
0x1f: {  	s9 =	smul.u32 $0xF7A, s1;
	s8 =	simm.s32 @!p0 $0x1BF5;
	p2 =	por !p2, p0  }
0x20: {  	[sflag:s8] =	ssyncset.s32 @!p0 $0xFFFFF086;
	s6 =	sadd.s32 @!p0 s3, s7;
	s7 =	simm.s32 @!p0 $0x108  }
0x21: {  	s3 =	sadd.s32 s3, s9;
	s6 =	sadd.s32 @!p0 $0x88, s6;
	s7 =	simm.s32 @p2 $0x1082  }
0x22: {  	[simem:s7], [sflag:s8] =	dma.local @!p0 [hbm:s6], $0xF7A  }
0x23: {  	s9 =	sor.u32 $0xD0000000, s2;
	s6 =	simm.s32 $0x108;
	_ =	swait.ge @!p0 [sflag:s8], $0x0  }
0x24: {  	s3 =	sadd.s32 $0x88, s3;
	s6 =	simm.s32 @!p1 $0x1082;
	[sflag:s4] =	ssyncset.s32 $0xFFFFF086  }
0x25: {  	[simem:s6], [sflag:s4] =	dma.local [hbm:s3], $0xF7A  }
0x26: {  	[smem:$0x3F9F] =	sst s1;
	(tag) =	ssettag s2;
	_ =	strace s9  }
0x27: {  	s1 =	sld [smem:$0x3FAF]  }
0x28: {  	s2 =	sld [smem:$0x3FB0]  }
0x29: {  	s4 =	sld [smem:$0x3FB2]  }
0x2a: {  	p0 =	seq.s32 s5, $0x0;
	s5 =	sld [smem:$0x3FB3]  }
0x2b: {  	s6 =	sld [smem:$0x3FB4]  }
0x2c: {  	s7 =	sld [smem:$0x3FB5]  }
0x2d: {  	s3 =	simm.s32 $0x108;
	s8 =	sld [smem:$0x3FB6]  }
0x2e: {  	s3 =	simm.s32 @!p0 $0x1082;
	s9 =	sld [smem:$0x3FB7]  }
0x2f: {  	lr =	sadd.s32 s0, s3;
	s0 =	sld [smem:$0x3FAE]  }
0x30: {  	s3 =	sld [smem:$0x3FB1]  }
0x31: {  	[smem:$0x3FBA] =	sst s10  }
0x32: {  	s10 =	sld [smem:$0x3FB8];
	_ =	sdelay $0x3  }
0x33: {  	p0 =	seq.s32 s10, $0x1;
	s10 =	sld [smem:$0x3FBA];
	_ =	sdelay $0x3  }
0x34: {  	[smem:$0x3FBA] =	sst s10  }
0x35: {  	s10 =	sld [smem:$0x3FB9];
	_ =	sdelay $0x3  }
0x36: {  	p1 =	seq.s32 s10, $0x1;
	s10 =	sld [smem:$0x3FBA];
	_ =	sdelay $0x3  }
0x37: {  	[smem:$0x3FBA] =	sst s10  }
0x38: {  	s10 =	sld [smem:$0x3FBB]  }
0x39: {  	_ = 	snop;
	(pc) =	sbr.ind lr, $3  }
0x3a: {  	_ = 	snop  }
0x3b: {  	_ = 	snop  }
0x3c: {  	p2 =	seq.s32 s10, $0x1;
	s10 =	sld [smem:$0x3FBA]  }
0x3d: {  	_ =	shalt  }
0x3e: {  	_ =	shalt  }
0x3f: {  	_ =	shalt  }
0x40: {  	_ =	shalt  }
0x41: {  	_ =	shalt  }
0x42: {  	_ =	shalt  }
0x43: {  	_ =	shalt  }
0x44: {  	_ =	shalt  }
0x45: {  	_ =	shalt  }
0x46: {  	_ =	shalt  }
0x47: {  	_ =	shalt  }
0x48: {  	_ =	shalt  }
0x49: {  	_ =	shalt  }
0x4a: {  	_ =	shalt  }
0x4b: {  	_ =	shalt  }
0x4c: {  	_ =	shalt  }
0x4d: {  	_ =	shalt  }
0x4e: {  	_ =	shalt  }
0x4f: {  	_ =	shalt  }
0x50: {  	_ =	shalt  }
0x51: {  	_ =	shalt  }
0x52: {  	_ =	shalt  }
0x53: {  	_ =	shalt  }
0x54: {  	_ =	shalt  }
0x55: {  	_ =	shalt  }
0x56: {  	_ =	shalt  }
0x57: {  	_ =	shalt  }
0x58: {  	_ =	shalt  }
0x59: {  	_ =	shalt  }
0x5a: {  	_ =	shalt  }
0x5b: {  	_ =	shalt  }
0x5c: {  	_ =	shalt  }
0x5d: {  	_ =	shalt  }
0x5e: {  	_ =	shalt  }
0x5f: {  	_ =	shalt  }
0x60: {  	_ =	shalt  }
0x61: {  	_ =	shalt  }
0x62: {  	_ =	shalt  }
0x63: {  	_ =	shalt  }
0x64: {  	_ =	shalt  }
0x65: {  	_ =	shalt  }
0x66: {  	_ =	shalt  }
0x67: {  	_ =	shalt  }
0x68: {  	_ =	shalt  }
0x69: {  	_ =	shalt  }
0x6a: {  	_ =	shalt  }
0x6b: {  	_ =	shalt  }
0x6c: {  	_ =	shalt  }
0x6d: {  	_ =	shalt  }
0x6e: {  	_ =	shalt  }
0x6f: {  	_ =	shalt  }
0x70: {  	_ =	shalt  }
0x71: {  	_ =	shalt  }
0x72: {  	_ =	shalt  }
0x73: {  	_ =	shalt  }
0x74: {  	_ =	shalt  }
0x75: {  	_ =	shalt  }
0x76: {  	_ =	shalt  }
0x77: {  	_ =	shalt  }
0x78: {  	_ =	shalt  }
0x79: {  	_ =	shalt  }
0x7a: {  	_ =	shalt  }
0x7b: {  	_ =	shalt  }
0x7c: {  	_ =	shalt  }
0x7d: {  	_ =	shalt  }
0x7e: {  	_ =	shalt  }
0x7f: {  	_ =	shalt  }
0x80: {  	_ =	shalt  }
0x81: {  	_ =	shalt  }
0x82: {  	_ =	shalt  }
0x83: {  	_ =	shalt  }
0x84: {  	_ =	shalt  }
0x85: {  	_ =	shalt  }
0x86: {  	_ =	shalt  }
0x87: {  	_ =	shalt  }
.Lfunc_end0:
.L_simem_size_0:
called_computation_lowered:
.L_overlay_start_0:
0x88: {  	s2 =	sld [smem:$0x3FD9]  }
0x89: {  	s3 =	sld [smem:$0x3FFE];
	_ =	sdelay $0x1  }
0x8a: {  	s1 =	srdreg.scid  }
0x8b: {  	s0 =	sand.u32 $0x1, s1  }
0x8c: {  	s15 =	sshll.u32 s0, $0xA;
	s2 =	sadd.s32 s3, s2  }
0x8d: {  	s2 =	sadd.s32 s2, s15  }
0x8e: {  	[smem:$0x3FC6] =	sst s2  }
0x8f: {  	_ = 	snop  }
0x90: {  	s2 =	sld [smem:$0x3FD0];
	_ =	sdelay $0x2  }
0x91: {  	s4 =	simm.s32 $0xA;
	s5 =	simm.s32 $0x10;
	s16 =	sld [smem:$0x3FC8]  }
0x92: {  	[smem:s5], [sflag:s4] =	dma.local [hbm:s2], $0x1  }
0x93: {  	_ =	swait.eq [sflag:s4], $0x1  }
0x94: {  	[sflag:s4] =	ssyncset.done $0x0  }
0x95: {  	s17 =	sld [smem:$0x10];
	[sflag:s4] =	ssyncadd.s32 $0xFFFFFFFF  }
0x96: {  	s18 =	sld [smem:$0x12];
	(tm) =	ssettm $0x1  }
0x97: {  	s19 =	sld [smem:$0x3FFB];
	_ =	sdelay $0x3  }
0x98: {  	_ =	strace s19  }
0x99: {  	s5 =	sld [smem:$0x3FFC];
	_ =	sdelay $0x3  }
0x9a: {  	_ =	strace s5  }
0x9b: {  	s5 =	sld [smem:$0x3FFD];
	_ =	sdelay $0x3  }
0x9c: {  	_ =	strace s5  }
0x9d: {  	_ =	strace $0x8FFFFFFF  }
0x9e: {  	s20 =	sld [smem:$0x3FDB];
	_ =	sdelay $0x1  }
0x9f: {  	s6 =	simm.s32 $_scs_section_size  }
0xa0: {  	s7 =	simm.s32 $_size__tile_overlayer_lowered;
	s8 =	simm.s32 $_tile_overlayer_lowered  }
0xa1: {  	s23 =	simm.s32 $0x1BFF;
	s22 =	sshll.u32 s8, $0x1;
	s5 =	sadd.s32 s6, s20  }
0xa2: {  	s9 =	simm.s32 $0x0;
	s21 =	sshll.u32 s7, $0x1;
	s7 =	sadd.s32 s22, s5  }
0xa3: {  	[timem:s9], [sflag:s23] =	dma.local [hbm:s7], s21  }
0xa4: {  	_ =	swait.ge [sflag:s23], s21  }
0xa5: {  	s6 =	ssub.s32 $0x0, s21;
	[sflag:s23] =	ssyncset.done $0x0  }
0xa6: {  	[sflag:s23] =	ssyncadd.s32 s6;
	_ =	sdelay $0x1  }
0xa7: {  	s24 =	simm.s32 $0x1B8B  }
0xa8: {  	_ =	swait.ge [sflag:s24], $0x1  }
0xa9: {  	[sflag:s24] =	ssyncset.done $0x0  }
0xaa: {  	s25 =	simm.s32 $0x1B8E;
	[sflag:s24] =	ssyncadd.s32 $0xFFFFFFFF  }
0xab: {  	s26 =	simm.s32 $execute0_lowered;
	[smem:$0x3FD2] =	sst s25  }
0xac: {  	s6 =	sshll.u32 s26, $0x1;
	_ =	strace $0x80000046;
	[dreg:$0x1] =	wrdreg $0xFFFFFFFF  }
0xad: {  	s28 =	simm.s32 $_size_execute0_lowered;
	s5 =	sadd.s32 s5, s6;
	[dreg:$0x0] =	wrdreg $0x0  }
0xae: {  	s6 =	sshll.u32 s28, $0x1;
	[dreg:$0x2] =	wrdreg s5  }
0xaf: {  	[dreg:$0x3] =	wrdreg s6  }
0xb0: {  	[dreg:$0x4] =	wrdreg $0xC0  }
0xb1: {  	_ =	task [dreg:s9], $0x5FFFF  }
0xb2: {  	[dreg:$0x1] =	wrdreg $0xFFFFFFFF  }
0xb3: {  	[dreg:$0x0] =	wrdreg $0x60  }
0xb4: {  	[dreg:$0x2] =	wrdreg s16  }
0xb5: {  	[dreg:$0x3] =	wrdreg s18  }
0xb6: {  	[dreg:$0x4] =	wrdreg s17  }
0xb7: {  	[dreg:$0x5] =	wrdreg $0x9  }
0xb8: {  	_ =	task.clear_ibuf [dreg:s9], $0x6FFFF;
	_ =	strace $0x90000046  }
0xb9: {  	s29 =	simm.s32 $0x9;
	_ =	strace $0x80000048  }
0xba: {  	_ =	swait.ge [sflag:s29], $0x1  }
0xbb: {  	[sflag:s29] =	ssyncadd.s32 $0xFFFFFFFF  }
0xbc: {  	_ =	strace $0x90000048  }
0xbd: {  	_ =	sfence  }
0xbe: {  	s30 =	sld [smem:$0x0];
	_ =	sdelay $0x2  }
0xbf: {  	s31 =	sshll.u32 s1, $0xD;
	s1 =	sshrl.u32 s1, $0x2  }
0xc0: {  	s3 =	sand.u32 $0x4000, s31;
	s1 =	sadd.s32 s1, s30  }
0xc1: {  	s0 =	sor.u32 s3, s0;
	s1 =	sshll.u32 s1, $0x11  }
0xc2: {  	s0 =	sor.u32 s1, s0  }
0xc3: {  	s0 =	sadd.s32 $0x8F2B, s0  }
0xc4: {  	[sflag:s0] =	ssyncadd.remote.s32 $0x1  }
0xc5: {  	_ =	sfence.sel $0xFFFF  }
0xc6: {  	[dreg:$0x0] =	wrdreg $0xFFFFFFFF;
	(pc) =	sbr.abs _section_cstart, $3  }
0xc7: {  	[dreg:$0x1] =	wrdreg $0xFFFFFFFF  }
0xc8: {  	_ =	task.clear_ibuf [dreg:s9], $0x2FFFF;
	_ =	strace $0x9FFFFFFF  }
0xc9: {  	(tm) =	ssettm $0x7FFFFFFF  }
tec
execute0_lowered:
.L_overlay_start_1:
0x0: {  	(tag) =	ssettag $0x1  }
0x1: {  	s1 =	rddreg [dreg:$0x0]  }
0x2: {  	s0 =	rddreg [dreg:$0x1]  }
0x3: {  	s12 =	rddreg [dreg:$0x2]  }
0x4: {  	s3 =	srdreg.scid;
	s2 =	stileid.u32  }
0x5: {  	s28 =	simm.s32 $0x6080;
	s29 =	simm.s32 $0x6880;
	s30 =	simm.s32 $0x7080  }
0x6: {  	s31 =	simm.s32 $0x7880;
	s4 =	sand.u32 $0x1, s3;
	s3 =	simm.s32 $0x0  }
0x7: {  	s5 =	sshll.u32 s2, $0xB;
	s6 =	sshll.u32 s4, $0xA;
	[smem:$0x7FF] =	sst s3  }
0x8: {  	s4 =	ssub.s32 $0x2, s4;
	s10 =	sor.u32 s6, s5;
	_ =	strace $0x80000047  }
0x9: {  	s14 =	sshrl.u32 s4, $0x1;
	s5 =	sshrl.u32 s10, $0x3;
	s6 =	sshll.u32 s10, $0x5  }
0xa: {  	s7 =	sor.u32 $0x80, s10;
	s13 =	sor.u32 $0x100, s10;
	s20 =	sor.u32 $0x200, s10  }
0xb: {  	s23 =	sor.u32 $0x280, s10;
	s5 =	sadd.s32 s0, s5;
	s26 =	sadd.s32 s12, s6  }
0xc: {  	s2 =	sshrl.u32 s7, $0x3;
	s9 =	sshll.u32 s7, $0x5;
	s15 =	sshrl.u32 s13, $0x3  }
0xd: {  	s6 =	sshll.u32 s13, $0x5;
	s13 =	ssub.s32 s4, s14;
	s21 =	sshrl.u32 s20, $0x3  }
0xe: {  	s22 =	sshll.u32 s20, $0x5;
	s24 =	sshrl.u32 s23, $0x3;
	[dreg:$0x4] =	wrdreg s5  }
0xf: {  	s14 =	sor.u32 $0x380, s10;
	s20 =	simm.s32 $0x2880;
	[dreg:$0x5] =	wrdreg s26  }
0x10: {  	s8 =	sadd.s32 s0, s2;
	s11 =	sadd.s32 s12, s9;
	s5 =	sadd.s32 s0, s15  }
0x11: {  	s16 =	sadd.s32 s12, s6;
	s6 =	sadd.s32 s12, s22;
	s9 =	sshll.u32 s23, $0x5  }
0x12: {  	s7 =	sadd.s32 s0, s24;
	s26 =	sshrl.u32 s14, $0x3;
	s14 =	sshll.u32 s14, $0x5  }
0x13: {  	s13 =	smax.u32 s13, $0x1;
	s15 =	simm.s32 $0x80;
	[dreg:$0x6] =	wrdreg s8  }
0x14: {  	s22 =	simm.s32 $0x3880;
	s23 =	simm.s32 $0x4080;
	[dreg:$0x7] =	wrdreg s11  }
0x15: {  	s24 =	simm.s32 $0x4880;
	s8 =	sor.u32 $0x180, s10;
	[dreg:$0x8] =	wrdreg s5  }
0x16: {  	[dreg:$0x9] =	wrdreg s16;
	s5 =	sadd.s32 s0, s21;
	s11 =	sor.u32 $0x300, s10  }
0x17: {  	s16 =	simm.s32 $0x880;
	s21 =	simm.s32 $0x3080;
	s17 =	sshrl.u32 s8, $0x3  }
0x18: {  	s19 =	sshll.u32 s8, $0x5;
	s8 =	sadd.s32 s12, s9;
	s25 =	sshrl.u32 s11, $0x3  }
0x19: {  	s11 =	sshll.u32 s11, $0x5;
	s18 =	sadd.s32 s0, s17;
	s4 =	sadd.s32 s12, s19  }
0x1a: {  	s9 =	sadd.s32 s0, s25;
	s10 =	sadd.s32 s12, s11;
	s11 =	sadd.s32 s0, s26  }
0x1b: {  	v2 =	vlaneseq.u32;
	s12 =	sadd.s32 s12, s14;
	s14 =	simm.s32 $0x2;
	s17 =	simm.s32 $0x1080  }
0x1c: {  	vm0 =	vmmov $0xffff;
	v1 =	vshrl.u32 v2, $0x3;
	s19 =	simm.s32 $0x2080;
	s25 =	simm.s32 $0x5080;
	s26 =	simm.s32 $0x5880  }
0x1d: {  	v0 =	vand.u32 $0x7, v2;
	v2 =	vor.u32 $0x8, v2;
	v1 =	vmul.u32 $0x8, v1;
	s0 =	simm.s32 $0x1;
	[dreg:$0xa] =	wrdreg s18;
	s18 =	simm.s32 $0x1880  }
.LBB2_1:
0x1e: {  	s2 =	rddreg [dreg:$0x4]  }
0x1f: {  	[tilespmem:s3], [sflag:$0x2] =	stream.linear.gather [hbm4b:s2+s3], $0x80, $0x38;
	[tilespmem:$0x8080] =	vst v63  }
0x20: {  	_ =	swait.ge [sflag:s14], $0x80  }
0x21: {  	[sflag:s14] =	ssyncset.done $0x0  }
0x22: {  	[sflag:s14] =	ssyncadd.s32 $0xFFFFFF80  }
0x23: {  	v3 =	vld [tilespmem:$0x0];
	_ =	sdelay $0x4  }
0x24: {  	v4 =	vshll.u32 v3, $0x1  }
0x25: {  	v3 =	vand.u32 $0x7, v3;
	v4 =	vand.u32 $0xFFFFFFF0, v4  }
0x26: {  	v3 =	vor.u32 v3, v4  }
0x27: {  	v4 =	vperm.xlane v3, v0;
	_ =	sdelay $0x1  }
0x28: {  	v3 =	vperm.xlane v3, v2;
	v4 =	vadd.s32 v1, v4;
	_ =	sdelay $0x1  }
0x29: {  	v3 =	vadd.s32 v1, v3;
	_ =	sdelay $0x2  }
0x2a: {  	[tilespmem:s15], [sflag:$0x1] =	stream.indirect_vreg.gather [hbm4b:s1+s3], $0x80, v4, vm0, $0xb8;
	[tilespmem:$0x8080] =	vst v63  }
0x2b: {  	_ = 	snop  }
0x2c: {  	[tilespmem:s16], [sflag:$0x1] =	stream.indirect_vreg.gather [hbm4b:s1+s3], $0x80, v3, vm0, $0xb8;
	[tilespmem:$0x8080] =	vst v63  }
0x2d: {  	v3 =	vld [tilespmem:$0x10];
	_ =	sdelay $0x4  }
0x2e: {  	v57 =	vshll.u32 v3, $0x1  }
0x2f: {  	v3 =	vand.u32 $0x7, v3;
	v4 =	vand.u32 $0xFFFFFFF0, v57  }
0x30: {  	v3 =	vor.u32 v3, v4  }
0x31: {  	v4 =	vperm.xlane v3, v0;
	_ =	sdelay $0x1  }
0x32: {  	v3 =	vperm.xlane v3, v2;
	v4 =	vadd.s32 v1, v4;
	_ =	sdelay $0x1  }
0x33: {  	v3 =	vadd.s32 v1, v3;
	_ =	sdelay $0x2  }
0x34: {  	[tilespmem:s17], [sflag:$0x1] =	stream.indirect_vreg.gather [hbm4b:s1+s3], $0x80, v4, vm0, $0xb8;
	[tilespmem:$0x8080] =	vst v63  }
0x35: {  	_ = 	snop  }
0x36: {  	[tilespmem:s18], [sflag:$0x1] =	stream.indirect_vreg.gather [hbm4b:s1+s3], $0x80, v3, vm0, $0xb8;
	[tilespmem:$0x8080] =	vst v63  }
0x37: {  	v3 =	vld [tilespmem:$0x20];
	_ =	sdelay $0x4  }
0x38: {  	v58 =	vshll.u32 v3, $0x1  }
0x39: {  	v3 =	vand.u32 $0x7, v3;
	v4 =	vand.u32 $0xFFFFFFF0, v58  }
0x3a: {  	v3 =	vor.u32 v3, v4  }
0x3b: {  	v4 =	vperm.xlane v3, v0;
	_ =	sdelay $0x1  }
0x3c: {  	v3 =	vperm.xlane v3, v2;
	v4 =	vadd.s32 v1, v4;
	_ =	sdelay $0x1  }
0x3d: {  	v3 =	vadd.s32 v1, v3;
	_ =	sdelay $0x2  }
0x3e: {  	[tilespmem:s19], [sflag:$0x1] =	stream.indirect_vreg.gather [hbm4b:s1+s3], $0x80, v4, vm0, $0xb8;
	[tilespmem:$0x8080] =	vst v63  }
0x3f: {  	_ = 	snop  }
0x40: {  	[tilespmem:s20], [sflag:$0x1] =	stream.indirect_vreg.gather [hbm4b:s1+s3], $0x80, v3, vm0, $0xb8;
	[tilespmem:$0x8080] =	vst v63  }
0x41: {  	v3 =	vld [tilespmem:$0x30];
	_ =	sdelay $0x4  }
0x42: {  	v59 =	vshll.u32 v3, $0x1  }
0x43: {  	v3 =	vand.u32 $0x7, v3;
	v4 =	vand.u32 $0xFFFFFFF0, v59  }
0x44: {  	v3 =	vor.u32 v3, v4  }
0x45: {  	v4 =	vperm.xlane v3, v0;
	_ =	sdelay $0x1  }
0x46: {  	v3 =	vperm.xlane v3, v2;
	v4 =	vadd.s32 v1, v4;
	_ =	sdelay $0x1  }
0x47: {  	v3 =	vadd.s32 v1, v3;
	_ =	sdelay $0x2  }
0x48: {  	[tilespmem:s21], [sflag:$0x1] =	stream.indirect_vreg.gather [hbm4b:s1+s3], $0x80, v4, vm0, $0xb8;
	[tilespmem:$0x8080] =	vst v63  }
0x49: {  	_ = 	snop  }
0x4a: {  	[tilespmem:s22], [sflag:$0x1] =	stream.indirect_vreg.gather [hbm4b:s1+s3], $0x80, v3, vm0, $0xb8;
	[tilespmem:$0x8080] =	vst v63  }
0x4b: {  	v3 =	vld [tilespmem:$0x40];
	_ =	sdelay $0x4  }
0x4c: {  	v60 =	vshll.u32 v3, $0x1  }
0x4d: {  	v3 =	vand.u32 $0x7, v3;
	v4 =	vand.u32 $0xFFFFFFF0, v60  }
0x4e: {  	v3 =	vor.u32 v3, v4  }
0x4f: {  	v4 =	vperm.xlane v3, v0;
	_ =	sdelay $0x1  }
0x50: {  	v3 =	vperm.xlane v3, v2;
	v4 =	vadd.s32 v1, v4;
	_ =	sdelay $0x1  }
0x51: {  	v3 =	vadd.s32 v1, v3;
	_ =	sdelay $0x2  }
0x52: {  	[tilespmem:s23], [sflag:$0x1] =	stream.indirect_vreg.gather [hbm4b:s1+s3], $0x80, v4, vm0, $0xb8;
	[tilespmem:$0x8080] =	vst v63  }
0x53: {  	_ = 	snop  }
0x54: {  	[tilespmem:s24], [sflag:$0x1] =	stream.indirect_vreg.gather [hbm4b:s1+s3], $0x80, v3, vm0, $0xb8;
	[tilespmem:$0x8080] =	vst v63  }
0x55: {  	v3 =	vld [tilespmem:$0x50];
	_ =	sdelay $0x4  }
0x56: {  	v61 =	vshll.u32 v3, $0x1  }
0x57: {  	v3 =	vand.u32 $0x7, v3;
	v4 =	vand.u32 $0xFFFFFFF0, v61  }
0x58: {  	v3 =	vor.u32 v3, v4  }
0x59: {  	v4 =	vperm.xlane v3, v0;
	_ =	sdelay $0x1  }
0x5a: {  	v3 =	vperm.xlane v3, v2;
	v4 =	vadd.s32 v1, v4;
	_ =	sdelay $0x1  }
0x5b: {  	v3 =	vadd.s32 v1, v3;
	_ =	sdelay $0x2  }
0x5c: {  	[tilespmem:s25], [sflag:$0x1] =	stream.indirect_vreg.gather [hbm4b:s1+s3], $0x80, v4, vm0, $0xb8;
	[tilespmem:$0x8080] =	vst v63  }
0x5d: {  	_ = 	snop  }
0x5e: {  	[tilespmem:s26], [sflag:$0x1] =	stream.indirect_vreg.gather [hbm4b:s1+s3], $0x80, v3, vm0, $0xb8;
	[tilespmem:$0x8080] =	vst v63  }
0x5f: {  	v3 =	vld [tilespmem:$0x60];
	_ =	sdelay $0x4  }
0x60: {  	v62 =	vshll.u32 v3, $0x1  }
0x61: {  	v3 =	vand.u32 $0x7, v3;
	v4 =	vand.u32 $0xFFFFFFF0, v62  }
0x62: {  	v3 =	vor.u32 v3, v4  }
0x63: {  	v4 =	vperm.xlane v3, v0;
	_ =	sdelay $0x1  }
0x64: {  	v3 =	vperm.xlane v3, v2;
	v4 =	vadd.s32 v1, v4;
	_ =	sdelay $0x1  }
0x65: {  	v3 =	vadd.s32 v1, v3;
	_ =	sdelay $0x2  }
0x66: {  	[tilespmem:s28], [sflag:$0x1] =	stream.indirect_vreg.gather [hbm4b:s1+s3], $0x80, v4, vm0, $0xb8;
	[tilespmem:$0x8080] =	vst v63  }
0x67: {  	_ = 	snop  }
0x68: {  	[tilespmem:s29], [sflag:$0x1] =	stream.indirect_vreg.gather [hbm4b:s1+s3], $0x80, v3, vm0, $0xb8;
	[tilespmem:$0x8080] =	vst v63  }
0x69: {  	v3 =	vld [tilespmem:$0x70];
	_ =	sdelay $0x4  }
0x6a: {  	v63 =	vshll.u32 v3, $0x1  }
0x6b: {  	v3 =	vand.u32 $0x7, v3;
	v4 =	vand.u32 $0xFFFFFFF0, v63  }
0x6c: {  	v3 =	vor.u32 v3, v4  }
0x6d: {  	v4 =	vperm.xlane v3, v0;
	_ =	sdelay $0x1  }
0x6e: {  	v3 =	vperm.xlane v3, v2;
	v4 =	vadd.s32 v1, v4;
	_ =	sdelay $0x1  }
0x6f: {  	v3 =	vadd.s32 v1, v3;
	_ =	sdelay $0x2  }
0x70: {  	[tilespmem:s30], [sflag:$0x1] =	stream.indirect_vreg.gather [hbm4b:s1+s3], $0x80, v4, vm0, $0xb8;
	[tilespmem:$0x8080] =	vst v63  }
0x71: {  	_ = 	snop  }
0x72: {  	[tilespmem:s31], [sflag:$0x1] =	stream.indirect_vreg.gather [hbm4b:s1+s3], $0x80, v3, vm0, $0xb8;
	[tilespmem:$0x8080] =	vst v63  }
0x73: {  	_ =	swait.ge [sflag:s0], $0x8000  }
0x74: {  	[sflag:s0] =	ssyncset.done $0x0  }
0x75: {  	s2 =	rddreg [dreg:$0x5];
	[sflag:s0] =	ssyncadd.s32 $0xFFFF8000  }
0x76: {  	[hbm4b:s2+s3] =	stream.linear.scatter [tilespmem:s15], [sflag:$0x2], $0x8000, $0x38;
	[tilespmem:$0x8080] =	vst v63  }
0x77: {  	_ =	swait.ge [sflag:s14], $0x8000  }
0x78: {  	[sflag:s14] =	ssyncset.done $0x0  }
0x79: {  	s2 =	rddreg [dreg:$0x6];
	[sflag:s14] =	ssyncadd.s32 $0xFFFF8000  }
0x7a: {  	[tilespmem:s3], [sflag:$0x2] =	stream.linear.gather [hbm4b:s2+s3], $0x80, $0x38;
	[tilespmem:$0x8080] =	vst v63  }
0x7b: {  	_ =	swait.ge [sflag:s14], $0x80  }
0x7c: {  	[sflag:s14] =	ssyncset.done $0x0  }
0x7d: {  	[sflag:s14] =	ssyncadd.s32 $0xFFFFFF80  }
0x7e: {  	v3 =	vld [tilespmem:$0x0];
	_ =	sdelay $0x4  }
0x7f: {  	v8 =	vshll.u32 v3, $0x1  }
0x80: {  	v3 =	vand.u32 $0x7, v3;
	v4 =	vand.u32 $0xFFFFFFF0, v8  }
0x81: {  	v3 =	vor.u32 v3, v4  }
0x82: {  	v4 =	vperm.xlane v3, v0;
	_ =	sdelay $0x1  }
0x83: {  	v3 =	vperm.xlane v3, v2;
	v4 =	vadd.s32 v1, v4;
	_ =	sdelay $0x1  }
0x84: {  	v3 =	vadd.s32 v1, v3;
	_ =	sdelay $0x2  }
0x85: {  	[tilespmem:s15], [sflag:$0x1] =	stream.indirect_vreg.gather [hbm4b:s1+s3], $0x80, v4, vm0, $0xb8;
	[tilespmem:$0x8080] =	vst v63  }
0x86: {  	_ = 	snop  }
0x87: {  	[tilespmem:s16], [sflag:$0x1] =	stream.indirect_vreg.gather [hbm4b:s1+s3], $0x80, v3, vm0, $0xb8;
	[tilespmem:$0x8080] =	vst v63  }
0x88: {  	v3 =	vld [tilespmem:$0x10];
	_ =	sdelay $0x4  }
0x89: {  	v9 =	vshll.u32 v3, $0x1  }
0x8a: {  	v3 =	vand.u32 $0x7, v3;
	v4 =	vand.u32 $0xFFFFFFF0, v9  }
0x8b: {  	v3 =	vor.u32 v3, v4  }
0x8c: {  	v4 =	vperm.xlane v3, v0;
	_ =	sdelay $0x1  }
0x8d: {  	v3 =	vperm.xlane v3, v2;
	v4 =	vadd.s32 v1, v4;
	_ =	sdelay $0x1  }
0x8e: {  	v3 =	vadd.s32 v1, v3;
	_ =	sdelay $0x2  }
0x8f: {  	[tilespmem:s17], [sflag:$0x1] =	stream.indirect_vreg.gather [hbm4b:s1+s3], $0x80, v4, vm0, $0xb8;
	[tilespmem:$0x8080] =	vst v63  }
0x90: {  	_ = 	snop  }
0x91: {  	[tilespmem:s18], [sflag:$0x1] =	stream.indirect_vreg.gather [hbm4b:s1+s3], $0x80, v3, vm0, $0xb8;
	[tilespmem:$0x8080] =	vst v63  }
0x92: {  	v3 =	vld [tilespmem:$0x20];
	_ =	sdelay $0x4  }
0x93: {  	v10 =	vshll.u32 v3, $0x1  }
0x94: {  	v3 =	vand.u32 $0x7, v3;
	v4 =	vand.u32 $0xFFFFFFF0, v10  }
0x95: {  	v3 =	vor.u32 v3, v4  }
0x96: {  	v4 =	vperm.xlane v3, v0;
	_ =	sdelay $0x1  }
0x97: {  	v3 =	vperm.xlane v3, v2;
	v4 =	vadd.s32 v1, v4;
	_ =	sdelay $0x1  }
0x98: {  	v3 =	vadd.s32 v1, v3;
	_ =	sdelay $0x2  }
0x99: {  	[tilespmem:s19], [sflag:$0x1] =	stream.indirect_vreg.gather [hbm4b:s1+s3], $0x80, v4, vm0, $0xb8;
	[tilespmem:$0x8080] =	vst v63  }
0x9a: {  	_ = 	snop  }
0x9b: {  	[tilespmem:s20], [sflag:$0x1] =	stream.indirect_vreg.gather [hbm4b:s1+s3], $0x80, v3, vm0, $0xb8;
	[tilespmem:$0x8080] =	vst v63  }
0x9c: {  	v3 =	vld [tilespmem:$0x30];
	_ =	sdelay $0x4  }
0x9d: {  	v11 =	vshll.u32 v3, $0x1  }
0x9e: {  	v3 =	vand.u32 $0x7, v3;
	v4 =	vand.u32 $0xFFFFFFF0, v11  }
0x9f: {  	v3 =	vor.u32 v3, v4  }
0xa0: {  	v4 =	vperm.xlane v3, v0;
	_ =	sdelay $0x1  }
0xa1: {  	v3 =	vperm.xlane v3, v2;
	v4 =	vadd.s32 v1, v4;
	_ =	sdelay $0x1  }
0xa2: {  	v3 =	vadd.s32 v1, v3;
	_ =	sdelay $0x2  }
0xa3: {  	[tilespmem:s21], [sflag:$0x1] =	stream.indirect_vreg.gather [hbm4b:s1+s3], $0x80, v4, vm0, $0xb8;
	[tilespmem:$0x8080] =	vst v63  }
0xa4: {  	_ = 	snop  }
0xa5: {  	[tilespmem:s22], [sflag:$0x1] =	stream.indirect_vreg.gather [hbm4b:s1+s3], $0x80, v3, vm0, $0xb8;
	[tilespmem:$0x8080] =	vst v63  }
0xa6: {  	v3 =	vld [tilespmem:$0x40];
	_ =	sdelay $0x4  }
0xa7: {  	v12 =	vshll.u32 v3, $0x1  }
0xa8: {  	v3 =	vand.u32 $0x7, v3;
	v4 =	vand.u32 $0xFFFFFFF0, v12  }
0xa9: {  	v3 =	vor.u32 v3, v4  }
0xaa: {  	v4 =	vperm.xlane v3, v0;
	_ =	sdelay $0x1  }
0xab: {  	v3 =	vperm.xlane v3, v2;
	v4 =	vadd.s32 v1, v4;
	_ =	sdelay $0x1  }
0xac: {  	v3 =	vadd.s32 v1, v3;
	_ =	sdelay $0x2  }
0xad: {  	[tilespmem:s23], [sflag:$0x1] =	stream.indirect_vreg.gather [hbm4b:s1+s3], $0x80, v4, vm0, $0xb8;
	[tilespmem:$0x8080] =	vst v63  }
0xae: {  	_ = 	snop  }
0xaf: {  	[tilespmem:s24], [sflag:$0x1] =	stream.indirect_vreg.gather [hbm4b:s1+s3], $0x80, v3, vm0, $0xb8;
	[tilespmem:$0x8080] =	vst v63  }
0xb0: {  	v3 =	vld [tilespmem:$0x50];
	_ =	sdelay $0x4  }
0xb1: {  	v13 =	vshll.u32 v3, $0x1  }
0xb2: {  	v3 =	vand.u32 $0x7, v3;
	v4 =	vand.u32 $0xFFFFFFF0, v13  }
0xb3: {  	v3 =	vor.u32 v3, v4  }
0xb4: {  	v4 =	vperm.xlane v3, v0;
	_ =	sdelay $0x1  }
0xb5: {  	v3 =	vperm.xlane v3, v2;
	v4 =	vadd.s32 v1, v4;
	_ =	sdelay $0x1  }
0xb6: {  	v3 =	vadd.s32 v1, v3;
	_ =	sdelay $0x2  }
0xb7: {  	[tilespmem:s25], [sflag:$0x1] =	stream.indirect_vreg.gather [hbm4b:s1+s3], $0x80, v4, vm0, $0xb8;
	[tilespmem:$0x8080] =	vst v63  }
0xb8: {  	_ = 	snop  }
0xb9: {  	[tilespmem:s26], [sflag:$0x1] =	stream.indirect_vreg.gather [hbm4b:s1+s3], $0x80, v3, vm0, $0xb8;
	[tilespmem:$0x8080] =	vst v63  }
0xba: {  	v3 =	vld [tilespmem:$0x60];
	_ =	sdelay $0x4  }
0xbb: {  	v14 =	vshll.u32 v3, $0x1  }
0xbc: {  	v3 =	vand.u32 $0x7, v3;
	v4 =	vand.u32 $0xFFFFFFF0, v14  }
0xbd: {  	v3 =	vor.u32 v3, v4  }
0xbe: {  	v4 =	vperm.xlane v3, v0;
	_ =	sdelay $0x1  }
0xbf: {  	v3 =	vperm.xlane v3, v2;
	v4 =	vadd.s32 v1, v4;
	_ =	sdelay $0x1  }
0xc0: {  	v3 =	vadd.s32 v1, v3;
	_ =	sdelay $0x2  }
0xc1: {  	[tilespmem:s28], [sflag:$0x1] =	stream.indirect_vreg.gather [hbm4b:s1+s3], $0x80, v4, vm0, $0xb8;
	[tilespmem:$0x8080] =	vst v63  }
0xc2: {  	_ = 	snop  }
0xc3: {  	[tilespmem:s29], [sflag:$0x1] =	stream.indirect_vreg.gather [hbm4b:s1+s3], $0x80, v3, vm0, $0xb8;
	[tilespmem:$0x8080] =	vst v63  }
0xc4: {  	v3 =	vld [tilespmem:$0x70];
	_ =	sdelay $0x4  }
0xc5: {  	v15 =	vshll.u32 v3, $0x1  }
0xc6: {  	v3 =	vand.u32 $0x7, v3;
	v4 =	vand.u32 $0xFFFFFFF0, v15  }
0xc7: {  	v3 =	vor.u32 v3, v4  }
0xc8: {  	v4 =	vperm.xlane v3, v0;
	_ =	sdelay $0x1  }
0xc9: {  	v3 =	vperm.xlane v3, v2;
	v4 =	vadd.s32 v1, v4;
	_ =	sdelay $0x1  }
0xca: {  	v3 =	vadd.s32 v1, v3;
	_ =	sdelay $0x2  }
0xcb: {  	[tilespmem:s30], [sflag:$0x1] =	stream.indirect_vreg.gather [hbm4b:s1+s3], $0x80, v4, vm0, $0xb8;
	[tilespmem:$0x8080] =	vst v63  }
0xcc: {  	_ = 	snop  }
0xcd: {  	[tilespmem:s31], [sflag:$0x1] =	stream.indirect_vreg.gather [hbm4b:s1+s3], $0x80, v3, vm0, $0xb8;
	[tilespmem:$0x8080] =	vst v63  }
0xce: {  	_ =	swait.ge [sflag:s0], $0x8000  }
0xcf: {  	[sflag:s0] =	ssyncset.done $0x0  }
0xd0: {  	s2 =	rddreg [dreg:$0x7];
	[sflag:s0] =	ssyncadd.s32 $0xFFFF8000  }
0xd1: {  	[hbm4b:s2+s3] =	stream.linear.scatter [tilespmem:s15], [sflag:$0x2], $0x8000, $0x38;
	[tilespmem:$0x8080] =	vst v63  }
0xd2: {  	_ =	swait.ge [sflag:s14], $0x8000  }
0xd3: {  	[sflag:s14] =	ssyncset.done $0x0  }
0xd4: {  	s2 =	rddreg [dreg:$0x8];
	[sflag:s14] =	ssyncadd.s32 $0xFFFF8000  }
0xd5: {  	[tilespmem:s3], [sflag:$0x2] =	stream.linear.gather [hbm4b:s2+s3], $0x80, $0x38;
	[tilespmem:$0x8080] =	vst v63  }
0xd6: {  	_ =	swait.ge [sflag:s14], $0x80  }
0xd7: {  	[sflag:s14] =	ssyncset.done $0x0  }
0xd8: {  	[sflag:s14] =	ssyncadd.s32 $0xFFFFFF80  }
0xd9: {  	v3 =	vld [tilespmem:$0x0];
	_ =	sdelay $0x4  }
0xda: {  	v16 =	vshll.u32 v3, $0x1  }
0xdb: {  	v3 =	vand.u32 $0x7, v3;
	v4 =	vand.u32 $0xFFFFFFF0, v16  }
0xdc: {  	v3 =	vor.u32 v3, v4  }
0xdd: {  	v4 =	vperm.xlane v3, v0;
	_ =	sdelay $0x1  }
0xde: {  	v3 =	vperm.xlane v3, v2;
	v4 =	vadd.s32 v1, v4;
	_ =	sdelay $0x1  }
0xdf: {  	v3 =	vadd.s32 v1, v3;
	_ =	sdelay $0x2  }
0xe0: {  	[tilespmem:s15], [sflag:$0x1] =	stream.indirect_vreg.gather [hbm4b:s1+s3], $0x80, v4, vm0, $0xb8;
	[tilespmem:$0x8080] =	vst v63  }
0xe1: {  	_ = 	snop  }
0xe2: {  	[tilespmem:s16], [sflag:$0x1] =	stream.indirect_vreg.gather [hbm4b:s1+s3], $0x80, v3, vm0, $0xb8;
	[tilespmem:$0x8080] =	vst v63  }
0xe3: {  	v3 =	vld [tilespmem:$0x10];
	_ =	sdelay $0x4  }
0xe4: {  	v17 =	vshll.u32 v3, $0x1  }
0xe5: {  	v3 =	vand.u32 $0x7, v3;
	v4 =	vand.u32 $0xFFFFFFF0, v17  }
0xe6: {  	v3 =	vor.u32 v3, v4  }
0xe7: {  	v4 =	vperm.xlane v3, v0;
	_ =	sdelay $0x1  }
0xe8: {  	v3 =	vperm.xlane v3, v2;
	v4 =	vadd.s32 v1, v4;
	_ =	sdelay $0x1  }
0xe9: {  	v3 =	vadd.s32 v1, v3;
	_ =	sdelay $0x2  }
0xea: {  	[tilespmem:s17], [sflag:$0x1] =	stream.indirect_vreg.gather [hbm4b:s1+s3], $0x80, v4, vm0, $0xb8;
	[tilespmem:$0x8080] =	vst v63  }
0xeb: {  	_ = 	snop  }
0xec: {  	[tilespmem:s18], [sflag:$0x1] =	stream.indirect_vreg.gather [hbm4b:s1+s3], $0x80, v3, vm0, $0xb8;
	[tilespmem:$0x8080] =	vst v63  }
0xed: {  	v3 =	vld [tilespmem:$0x20];
	_ =	sdelay $0x4  }
0xee: {  	v18 =	vshll.u32 v3, $0x1  }
0xef: {  	v3 =	vand.u32 $0x7, v3;
	v4 =	vand.u32 $0xFFFFFFF0, v18  }
0xf0: {  	v3 =	vor.u32 v3, v4  }
0xf1: {  	v4 =	vperm.xlane v3, v0;
	_ =	sdelay $0x1  }
0xf2: {  	v3 =	vperm.xlane v3, v2;
	v4 =	vadd.s32 v1, v4;
	_ =	sdelay $0x1  }
0xf3: {  	v3 =	vadd.s32 v1, v3;
	_ =	sdelay $0x2  }
0xf4: {  	[tilespmem:s19], [sflag:$0x1] =	stream.indirect_vreg.gather [hbm4b:s1+s3], $0x80, v4, vm0, $0xb8;
	[tilespmem:$0x8080] =	vst v63  }
0xf5: {  	_ = 	snop  }
0xf6: {  	[tilespmem:s20], [sflag:$0x1] =	stream.indirect_vreg.gather [hbm4b:s1+s3], $0x80, v3, vm0, $0xb8;
	[tilespmem:$0x8080] =	vst v63  }
0xf7: {  	v3 =	vld [tilespmem:$0x30];
	_ =	sdelay $0x4  }
0xf8: {  	v19 =	vshll.u32 v3, $0x1  }
0xf9: {  	v3 =	vand.u32 $0x7, v3;
	v4 =	vand.u32 $0xFFFFFFF0, v19  }
0xfa: {  	v3 =	vor.u32 v3, v4  }
0xfb: {  	v4 =	vperm.xlane v3, v0;
	_ =	sdelay $0x1  }
0xfc: {  	v3 =	vperm.xlane v3, v2;
	v4 =	vadd.s32 v1, v4;
	_ =	sdelay $0x1  }
0xfd: {  	v3 =	vadd.s32 v1, v3;
	_ =	sdelay $0x2  }
0xfe: {  	[tilespmem:s21], [sflag:$0x1] =	stream.indirect_vreg.gather [hbm4b:s1+s3], $0x80, v4, vm0, $0xb8;
	[tilespmem:$0x8080] =	vst v63  }
0xff: {  	_ = 	snop  }
0x100: {  	[tilespmem:s22], [sflag:$0x1] =	stream.indirect_vreg.gather [hbm4b:s1+s3], $0x80, v3, vm0, $0xb8;
	[tilespmem:$0x8080] =	vst v63  }
0x101: {  	v3 =	vld [tilespmem:$0x40];
	_ =	sdelay $0x4  }
0x102: {  	v20 =	vshll.u32 v3, $0x1  }
0x103: {  	v3 =	vand.u32 $0x7, v3;
	v4 =	vand.u32 $0xFFFFFFF0, v20  }
0x104: {  	v3 =	vor.u32 v3, v4  }
0x105: {  	v4 =	vperm.xlane v3, v0;
	_ =	sdelay $0x1  }
0x106: {  	v3 =	vperm.xlane v3, v2;
	v4 =	vadd.s32 v1, v4;
	_ =	sdelay $0x1  }
0x107: {  	v3 =	vadd.s32 v1, v3;
	_ =	sdelay $0x2  }
0x108: {  	[tilespmem:s23], [sflag:$0x1] =	stream.indirect_vreg.gather [hbm4b:s1+s3], $0x80, v4, vm0, $0xb8;
	[tilespmem:$0x8080] =	vst v63  }
0x109: {  	_ = 	snop  }
0x10a: {  	[tilespmem:s24], [sflag:$0x1] =	stream.indirect_vreg.gather [hbm4b:s1+s3], $0x80, v3, vm0, $0xb8;
	[tilespmem:$0x8080] =	vst v63  }
0x10b: {  	v3 =	vld [tilespmem:$0x50];
	_ =	sdelay $0x4  }
0x10c: {  	v21 =	vshll.u32 v3, $0x1  }
0x10d: {  	v3 =	vand.u32 $0x7, v3;
	v4 =	vand.u32 $0xFFFFFFF0, v21  }
0x10e: {  	v3 =	vor.u32 v3, v4  }
0x10f: {  	v4 =	vperm.xlane v3, v0;
	_ =	sdelay $0x1  }
0x110: {  	v3 =	vperm.xlane v3, v2;
	v4 =	vadd.s32 v1, v4;
	_ =	sdelay $0x1  }
0x111: {  	v3 =	vadd.s32 v1, v3;
	_ =	sdelay $0x2  }
0x112: {  	[tilespmem:s25], [sflag:$0x1] =	stream.indirect_vreg.gather [hbm4b:s1+s3], $0x80, v4, vm0, $0xb8;
	[tilespmem:$0x8080] =	vst v63  }
0x113: {  	_ = 	snop  }
0x114: {  	[tilespmem:s26], [sflag:$0x1] =	stream.indirect_vreg.gather [hbm4b:s1+s3], $0x80, v3, vm0, $0xb8;
	[tilespmem:$0x8080] =	vst v63  }
0x115: {  	v3 =	vld [tilespmem:$0x60];
	_ =	sdelay $0x4  }
0x116: {  	v22 =	vshll.u32 v3, $0x1  }
0x117: {  	v3 =	vand.u32 $0x7, v3;
	v4 =	vand.u32 $0xFFFFFFF0, v22  }
0x118: {  	v3 =	vor.u32 v3, v4  }
0x119: {  	v4 =	vperm.xlane v3, v0;
	_ =	sdelay $0x1  }
0x11a: {  	v3 =	vperm.xlane v3, v2;
	v4 =	vadd.s32 v1, v4;
	_ =	sdelay $0x1  }
0x11b: {  	v3 =	vadd.s32 v1, v3;
	_ =	sdelay $0x2  }
0x11c: {  	[tilespmem:s28], [sflag:$0x1] =	stream.indirect_vreg.gather [hbm4b:s1+s3], $0x80, v4, vm0, $0xb8;
	[tilespmem:$0x8080] =	vst v63  }
0x11d: {  	_ = 	snop  }
0x11e: {  	[tilespmem:s29], [sflag:$0x1] =	stream.indirect_vreg.gather [hbm4b:s1+s3], $0x80, v3, vm0, $0xb8;
	[tilespmem:$0x8080] =	vst v63  }
0x11f: {  	v3 =	vld [tilespmem:$0x70];
	_ =	sdelay $0x4  }
0x120: {  	v23 =	vshll.u32 v3, $0x1  }
0x121: {  	v3 =	vand.u32 $0x7, v3;
	v4 =	vand.u32 $0xFFFFFFF0, v23  }
0x122: {  	v3 =	vor.u32 v3, v4  }
0x123: {  	v4 =	vperm.xlane v3, v0;
	_ =	sdelay $0x1  }
0x124: {  	v3 =	vperm.xlane v3, v2;
	v4 =	vadd.s32 v1, v4;
	_ =	sdelay $0x1  }
0x125: {  	v3 =	vadd.s32 v1, v3;
	_ =	sdelay $0x2  }
0x126: {  	[tilespmem:s30], [sflag:$0x1] =	stream.indirect_vreg.gather [hbm4b:s1+s3], $0x80, v4, vm0, $0xb8;
	[tilespmem:$0x8080] =	vst v63  }
0x127: {  	_ = 	snop  }
0x128: {  	[tilespmem:s31], [sflag:$0x1] =	stream.indirect_vreg.gather [hbm4b:s1+s3], $0x80, v3, vm0, $0xb8;
	[tilespmem:$0x8080] =	vst v63  }
0x129: {  	_ =	swait.ge [sflag:s0], $0x8000  }
0x12a: {  	[sflag:s0] =	ssyncset.done $0x0  }
0x12b: {  	s2 =	rddreg [dreg:$0x9];
	[sflag:s0] =	ssyncadd.s32 $0xFFFF8000  }
0x12c: {  	[hbm4b:s2+s3] =	stream.linear.scatter [tilespmem:s15], [sflag:$0x2], $0x8000, $0x38;
	[tilespmem:$0x8080] =	vst v63  }
0x12d: {  	_ =	swait.ge [sflag:s14], $0x8000  }
0x12e: {  	[sflag:s14] =	ssyncset.done $0x0  }
0x12f: {  	s2 =	rddreg [dreg:$0xa];
	[sflag:s14] =	ssyncadd.s32 $0xFFFF8000  }
0x130: {  	[tilespmem:s3], [sflag:$0x2] =	stream.linear.gather [hbm4b:s2+s3], $0x80, $0x38;
	[tilespmem:$0x8080] =	vst v63  }
0x131: {  	_ =	swait.ge [sflag:s14], $0x80  }
0x132: {  	[sflag:s14] =	ssyncset.done $0x0  }
0x133: {  	[sflag:s14] =	ssyncadd.s32 $0xFFFFFF80  }
0x134: {  	v3 =	vld [tilespmem:$0x0];
	_ =	sdelay $0x4  }
0x135: {  	v24 =	vshll.u32 v3, $0x1  }
0x136: {  	v3 =	vand.u32 $0x7, v3;
	v4 =	vand.u32 $0xFFFFFFF0, v24  }
0x137: {  	v3 =	vor.u32 v3, v4  }
0x138: {  	v4 =	vperm.xlane v3, v0;
	_ =	sdelay $0x1  }
0x139: {  	v3 =	vperm.xlane v3, v2;
	v4 =	vadd.s32 v1, v4;
	_ =	sdelay $0x1  }
0x13a: {  	v3 =	vadd.s32 v1, v3;
	_ =	sdelay $0x2  }
0x13b: {  	[tilespmem:s15], [sflag:$0x1] =	stream.indirect_vreg.gather [hbm4b:s1+s3], $0x80, v4, vm0, $0xb8;
	[tilespmem:$0x8080] =	vst v63  }
0x13c: {  	_ = 	snop  }
0x13d: {  	[tilespmem:s16], [sflag:$0x1] =	stream.indirect_vreg.gather [hbm4b:s1+s3], $0x80, v3, vm0, $0xb8;
	[tilespmem:$0x8080] =	vst v63  }
0x13e: {  	v3 =	vld [tilespmem:$0x10];
	_ =	sdelay $0x4  }
0x13f: {  	v25 =	vshll.u32 v3, $0x1  }
0x140: {  	v3 =	vand.u32 $0x7, v3;
	v4 =	vand.u32 $0xFFFFFFF0, v25  }
0x141: {  	v3 =	vor.u32 v3, v4  }
0x142: {  	v4 =	vperm.xlane v3, v0;
	_ =	sdelay $0x1  }
0x143: {  	v3 =	vperm.xlane v3, v2;
	v4 =	vadd.s32 v1, v4;
	_ =	sdelay $0x1  }
0x144: {  	v3 =	vadd.s32 v1, v3;
	_ =	sdelay $0x2  }
0x145: {  	[tilespmem:s17], [sflag:$0x1] =	stream.indirect_vreg.gather [hbm4b:s1+s3], $0x80, v4, vm0, $0xb8;
	[tilespmem:$0x8080] =	vst v63  }
0x146: {  	_ = 	snop  }
0x147: {  	[tilespmem:s18], [sflag:$0x1] =	stream.indirect_vreg.gather [hbm4b:s1+s3], $0x80, v3, vm0, $0xb8;
	[tilespmem:$0x8080] =	vst v63  }
0x148: {  	v3 =	vld [tilespmem:$0x20];
	_ =	sdelay $0x4  }
0x149: {  	v26 =	vshll.u32 v3, $0x1  }
0x14a: {  	v3 =	vand.u32 $0x7, v3;
	v4 =	vand.u32 $0xFFFFFFF0, v26  }
0x14b: {  	v3 =	vor.u32 v3, v4  }
0x14c: {  	v4 =	vperm.xlane v3, v0;
	_ =	sdelay $0x1  }
0x14d: {  	v3 =	vperm.xlane v3, v2;
	v4 =	vadd.s32 v1, v4;
	_ =	sdelay $0x1  }
0x14e: {  	v3 =	vadd.s32 v1, v3;
	_ =	sdelay $0x2  }
0x14f: {  	[tilespmem:s19], [sflag:$0x1] =	stream.indirect_vreg.gather [hbm4b:s1+s3], $0x80, v4, vm0, $0xb8;
	[tilespmem:$0x8080] =	vst v63  }
0x150: {  	_ = 	snop  }
0x151: {  	[tilespmem:s20], [sflag:$0x1] =	stream.indirect_vreg.gather [hbm4b:s1+s3], $0x80, v3, vm0, $0xb8;
	[tilespmem:$0x8080] =	vst v63  }
0x152: {  	v3 =	vld [tilespmem:$0x30];
	_ =	sdelay $0x4  }
0x153: {  	v27 =	vshll.u32 v3, $0x1  }
0x154: {  	v3 =	vand.u32 $0x7, v3;
	v4 =	vand.u32 $0xFFFFFFF0, v27  }
0x155: {  	v3 =	vor.u32 v3, v4  }
0x156: {  	v4 =	vperm.xlane v3, v0;
	_ =	sdelay $0x1  }
0x157: {  	v3 =	vperm.xlane v3, v2;
	v4 =	vadd.s32 v1, v4;
	_ =	sdelay $0x1  }
0x158: {  	v3 =	vadd.s32 v1, v3;
	_ =	sdelay $0x2  }
0x159: {  	[tilespmem:s21], [sflag:$0x1] =	stream.indirect_vreg.gather [hbm4b:s1+s3], $0x80, v4, vm0, $0xb8;
	[tilespmem:$0x8080] =	vst v63  }
0x15a: {  	_ = 	snop  }
0x15b: {  	[tilespmem:s22], [sflag:$0x1] =	stream.indirect_vreg.gather [hbm4b:s1+s3], $0x80, v3, vm0, $0xb8;
	[tilespmem:$0x8080] =	vst v63  }
0x15c: {  	v3 =	vld [tilespmem:$0x40];
	_ =	sdelay $0x4  }
0x15d: {  	v28 =	vshll.u32 v3, $0x1  }
0x15e: {  	v3 =	vand.u32 $0x7, v3;
	v4 =	vand.u32 $0xFFFFFFF0, v28  }
0x15f: {  	v3 =	vor.u32 v3, v4  }
0x160: {  	v4 =	vperm.xlane v3, v0;
	_ =	sdelay $0x1  }
0x161: {  	v3 =	vperm.xlane v3, v2;
	v4 =	vadd.s32 v1, v4;
	_ =	sdelay $0x1  }
0x162: {  	v3 =	vadd.s32 v1, v3;
	_ =	sdelay $0x2  }
0x163: {  	[tilespmem:s23], [sflag:$0x1] =	stream.indirect_vreg.gather [hbm4b:s1+s3], $0x80, v4, vm0, $0xb8;
	[tilespmem:$0x8080] =	vst v63  }
0x164: {  	_ = 	snop  }
0x165: {  	[tilespmem:s24], [sflag:$0x1] =	stream.indirect_vreg.gather [hbm4b:s1+s3], $0x80, v3, vm0, $0xb8;
	[tilespmem:$0x8080] =	vst v63  }
0x166: {  	v3 =	vld [tilespmem:$0x50];
	_ =	sdelay $0x4  }
0x167: {  	v29 =	vshll.u32 v3, $0x1  }
0x168: {  	v3 =	vand.u32 $0x7, v3;
	v4 =	vand.u32 $0xFFFFFFF0, v29  }
0x169: {  	v3 =	vor.u32 v3, v4  }
0x16a: {  	v4 =	vperm.xlane v3, v0;
	_ =	sdelay $0x1  }
0x16b: {  	v3 =	vperm.xlane v3, v2;
	v4 =	vadd.s32 v1, v4;
	_ =	sdelay $0x1  }
0x16c: {  	v3 =	vadd.s32 v1, v3;
	_ =	sdelay $0x2  }
0x16d: {  	[tilespmem:s25], [sflag:$0x1] =	stream.indirect_vreg.gather [hbm4b:s1+s3], $0x80, v4, vm0, $0xb8;
	[tilespmem:$0x8080] =	vst v63  }
0x16e: {  	_ = 	snop  }
0x16f: {  	[tilespmem:s26], [sflag:$0x1] =	stream.indirect_vreg.gather [hbm4b:s1+s3], $0x80, v3, vm0, $0xb8;
	[tilespmem:$0x8080] =	vst v63  }
0x170: {  	v3 =	vld [tilespmem:$0x60];
	_ =	sdelay $0x4  }
0x171: {  	v30 =	vshll.u32 v3, $0x1  }
0x172: {  	v3 =	vand.u32 $0x7, v3;
	v4 =	vand.u32 $0xFFFFFFF0, v30  }
0x173: {  	v3 =	vor.u32 v3, v4  }
0x174: {  	v4 =	vperm.xlane v3, v0;
	_ =	sdelay $0x1  }
0x175: {  	v3 =	vperm.xlane v3, v2;
	v4 =	vadd.s32 v1, v4;
	_ =	sdelay $0x1  }
0x176: {  	v3 =	vadd.s32 v1, v3;
	_ =	sdelay $0x2  }
0x177: {  	[tilespmem:s28], [sflag:$0x1] =	stream.indirect_vreg.gather [hbm4b:s1+s3], $0x80, v4, vm0, $0xb8;
	[tilespmem:$0x8080] =	vst v63  }
0x178: {  	_ = 	snop  }
0x179: {  	[tilespmem:s29], [sflag:$0x1] =	stream.indirect_vreg.gather [hbm4b:s1+s3], $0x80, v3, vm0, $0xb8;
	[tilespmem:$0x8080] =	vst v63  }
0x17a: {  	v3 =	vld [tilespmem:$0x70];
	_ =	sdelay $0x4  }
0x17b: {  	v31 =	vshll.u32 v3, $0x1  }
0x17c: {  	v3 =	vand.u32 $0x7, v3;
	v4 =	vand.u32 $0xFFFFFFF0, v31  }
0x17d: {  	v3 =	vor.u32 v3, v4  }
0x17e: {  	v4 =	vperm.xlane v3, v0;
	_ =	sdelay $0x1  }
0x17f: {  	v3 =	vperm.xlane v3, v2;
	v4 =	vadd.s32 v1, v4;
	_ =	sdelay $0x1  }
0x180: {  	v3 =	vadd.s32 v1, v3;
	_ =	sdelay $0x2  }
0x181: {  	[tilespmem:s30], [sflag:$0x1] =	stream.indirect_vreg.gather [hbm4b:s1+s3], $0x80, v4, vm0, $0xb8;
	[tilespmem:$0x8080] =	vst v63  }
0x182: {  	_ = 	snop  }
0x183: {  	[tilespmem:s31], [sflag:$0x1] =	stream.indirect_vreg.gather [hbm4b:s1+s3], $0x80, v3, vm0, $0xb8;
	[tilespmem:$0x8080] =	vst v63  }
0x184: {  	_ =	swait.ge [sflag:s0], $0x8000  }
0x185: {  	[sflag:s0] =	ssyncset.done $0x0  }
0x186: {  	[sflag:s0] =	ssyncadd.s32 $0xFFFF8000  }
0x187: {  	[hbm4b:s4+s3] =	stream.linear.scatter [tilespmem:s15], [sflag:$0x2], $0x8000, $0x38;
	[tilespmem:$0x8080] =	vst v63  }
0x188: {  	_ =	swait.ge [sflag:s14], $0x8000  }
0x189: {  	[sflag:s14] =	ssyncset.done $0x0  }
0x18a: {  	[sflag:s14] =	ssyncadd.s32 $0xFFFF8000  }
0x18b: {  	[tilespmem:s3], [sflag:$0x2] =	stream.linear.gather [hbm4b:s5+s3], $0x80, $0x38;
	[tilespmem:$0x8080] =	vst v63  }
0x18c: {  	_ =	swait.ge [sflag:s14], $0x80  }
0x18d: {  	[sflag:s14] =	ssyncset.done $0x0  }
0x18e: {  	[sflag:s14] =	ssyncadd.s32 $0xFFFFFF80  }
0x18f: {  	v3 =	vld [tilespmem:$0x0];
	_ =	sdelay $0x4  }
0x190: {  	v32 =	vshll.u32 v3, $0x1  }
0x191: {  	v3 =	vand.u32 $0x7, v3;
	v4 =	vand.u32 $0xFFFFFFF0, v32  }
0x192: {  	v3 =	vor.u32 v3, v4  }
0x193: {  	v4 =	vperm.xlane v3, v0;
	_ =	sdelay $0x1  }
0x194: {  	v3 =	vperm.xlane v3, v2;
	v4 =	vadd.s32 v1, v4;
	_ =	sdelay $0x1  }
0x195: {  	v3 =	vadd.s32 v1, v3;
	_ =	sdelay $0x2  }
0x196: {  	[tilespmem:s15], [sflag:$0x1] =	stream.indirect_vreg.gather [hbm4b:s1+s3], $0x80, v4, vm0, $0xb8;
	[tilespmem:$0x8080] =	vst v63  }
0x197: {  	_ = 	snop  }
0x198: {  	[tilespmem:s16], [sflag:$0x1] =	stream.indirect_vreg.gather [hbm4b:s1+s3], $0x80, v3, vm0, $0xb8;
	[tilespmem:$0x8080] =	vst v63  }
0x199: {  	v3 =	vld [tilespmem:$0x10];
	_ =	sdelay $0x4  }
0x19a: {  	v33 =	vshll.u32 v3, $0x1  }
0x19b: {  	v3 =	vand.u32 $0x7, v3;
	v4 =	vand.u32 $0xFFFFFFF0, v33  }
0x19c: {  	v3 =	vor.u32 v3, v4  }
0x19d: {  	v4 =	vperm.xlane v3, v0;
	_ =	sdelay $0x1  }
0x19e: {  	v3 =	vperm.xlane v3, v2;
	v4 =	vadd.s32 v1, v4;
	_ =	sdelay $0x1  }
0x19f: {  	v3 =	vadd.s32 v1, v3;
	_ =	sdelay $0x2  }
0x1a0: {  	[tilespmem:s17], [sflag:$0x1] =	stream.indirect_vreg.gather [hbm4b:s1+s3], $0x80, v4, vm0, $0xb8;
	[tilespmem:$0x8080] =	vst v63  }
0x1a1: {  	_ = 	snop  }
0x1a2: {  	[tilespmem:s18], [sflag:$0x1] =	stream.indirect_vreg.gather [hbm4b:s1+s3], $0x80, v3, vm0, $0xb8;
	[tilespmem:$0x8080] =	vst v63  }
0x1a3: {  	v3 =	vld [tilespmem:$0x20];
	_ =	sdelay $0x4  }
0x1a4: {  	v34 =	vshll.u32 v3, $0x1  }
0x1a5: {  	v3 =	vand.u32 $0x7, v3;
	v4 =	vand.u32 $0xFFFFFFF0, v34  }
0x1a6: {  	v3 =	vor.u32 v3, v4  }
0x1a7: {  	v4 =	vperm.xlane v3, v0;
	_ =	sdelay $0x1  }
0x1a8: {  	v3 =	vperm.xlane v3, v2;
	v4 =	vadd.s32 v1, v4;
	_ =	sdelay $0x1  }
0x1a9: {  	v3 =	vadd.s32 v1, v3;
	_ =	sdelay $0x2  }
0x1aa: {  	[tilespmem:s19], [sflag:$0x1] =	stream.indirect_vreg.gather [hbm4b:s1+s3], $0x80, v4, vm0, $0xb8;
	[tilespmem:$0x8080] =	vst v63  }
0x1ab: {  	_ = 	snop  }
0x1ac: {  	[tilespmem:s20], [sflag:$0x1] =	stream.indirect_vreg.gather [hbm4b:s1+s3], $0x80, v3, vm0, $0xb8;
	[tilespmem:$0x8080] =	vst v63  }
0x1ad: {  	v3 =	vld [tilespmem:$0x30];
	_ =	sdelay $0x4  }
0x1ae: {  	v35 =	vshll.u32 v3, $0x1  }
0x1af: {  	v3 =	vand.u32 $0x7, v3;
	v4 =	vand.u32 $0xFFFFFFF0, v35  }
0x1b0: {  	v3 =	vor.u32 v3, v4  }
0x1b1: {  	v4 =	vperm.xlane v3, v0;
	_ =	sdelay $0x1  }
0x1b2: {  	v3 =	vperm.xlane v3, v2;
	v4 =	vadd.s32 v1, v4;
	_ =	sdelay $0x1  }
0x1b3: {  	v3 =	vadd.s32 v1, v3;
	_ =	sdelay $0x2  }
0x1b4: {  	[tilespmem:s21], [sflag:$0x1] =	stream.indirect_vreg.gather [hbm4b:s1+s3], $0x80, v4, vm0, $0xb8;
	[tilespmem:$0x8080] =	vst v63  }
0x1b5: {  	_ = 	snop  }
0x1b6: {  	[tilespmem:s22], [sflag:$0x1] =	stream.indirect_vreg.gather [hbm4b:s1+s3], $0x80, v3, vm0, $0xb8;
	[tilespmem:$0x8080] =	vst v63  }
0x1b7: {  	v3 =	vld [tilespmem:$0x40];
	_ =	sdelay $0x4  }
0x1b8: {  	v36 =	vshll.u32 v3, $0x1  }
0x1b9: {  	v3 =	vand.u32 $0x7, v3;
	v4 =	vand.u32 $0xFFFFFFF0, v36  }
0x1ba: {  	v3 =	vor.u32 v3, v4  }
0x1bb: {  	v4 =	vperm.xlane v3, v0;
	_ =	sdelay $0x1  }
0x1bc: {  	v3 =	vperm.xlane v3, v2;
	v4 =	vadd.s32 v1, v4;
	_ =	sdelay $0x1  }
0x1bd: {  	v3 =	vadd.s32 v1, v3;
	_ =	sdelay $0x2  }
0x1be: {  	[tilespmem:s23], [sflag:$0x1] =	stream.indirect_vreg.gather [hbm4b:s1+s3], $0x80, v4, vm0, $0xb8;
	[tilespmem:$0x8080] =	vst v63  }
0x1bf: {  	_ = 	snop  }
0x1c0: {  	[tilespmem:s24], [sflag:$0x1] =	stream.indirect_vreg.gather [hbm4b:s1+s3], $0x80, v3, vm0, $0xb8;
	[tilespmem:$0x8080] =	vst v63  }
0x1c1: {  	v3 =	vld [tilespmem:$0x50];
	_ =	sdelay $0x4  }
0x1c2: {  	v37 =	vshll.u32 v3, $0x1  }
0x1c3: {  	v3 =	vand.u32 $0x7, v3;
	v4 =	vand.u32 $0xFFFFFFF0, v37  }
0x1c4: {  	v3 =	vor.u32 v3, v4  }
0x1c5: {  	v4 =	vperm.xlane v3, v0;
	_ =	sdelay $0x1  }
0x1c6: {  	v3 =	vperm.xlane v3, v2;
	v4 =	vadd.s32 v1, v4;
	_ =	sdelay $0x1  }
0x1c7: {  	v3 =	vadd.s32 v1, v3;
	_ =	sdelay $0x2  }
0x1c8: {  	[tilespmem:s25], [sflag:$0x1] =	stream.indirect_vreg.gather [hbm4b:s1+s3], $0x80, v4, vm0, $0xb8;
	[tilespmem:$0x8080] =	vst v63  }
0x1c9: {  	_ = 	snop  }
0x1ca: {  	[tilespmem:s26], [sflag:$0x1] =	stream.indirect_vreg.gather [hbm4b:s1+s3], $0x80, v3, vm0, $0xb8;
	[tilespmem:$0x8080] =	vst v63  }
0x1cb: {  	v3 =	vld [tilespmem:$0x60];
	_ =	sdelay $0x4  }
0x1cc: {  	v38 =	vshll.u32 v3, $0x1  }
0x1cd: {  	v3 =	vand.u32 $0x7, v3;
	v4 =	vand.u32 $0xFFFFFFF0, v38  }
0x1ce: {  	v3 =	vor.u32 v3, v4  }
0x1cf: {  	v4 =	vperm.xlane v3, v0;
	_ =	sdelay $0x1  }
0x1d0: {  	v3 =	vperm.xlane v3, v2;
	v4 =	vadd.s32 v1, v4;
	_ =	sdelay $0x1  }
0x1d1: {  	v3 =	vadd.s32 v1, v3;
	_ =	sdelay $0x2  }
0x1d2: {  	[tilespmem:s28], [sflag:$0x1] =	stream.indirect_vreg.gather [hbm4b:s1+s3], $0x80, v4, vm0, $0xb8;
	[tilespmem:$0x8080] =	vst v63  }
0x1d3: {  	_ = 	snop  }
0x1d4: {  	[tilespmem:s29], [sflag:$0x1] =	stream.indirect_vreg.gather [hbm4b:s1+s3], $0x80, v3, vm0, $0xb8;
	[tilespmem:$0x8080] =	vst v63  }
0x1d5: {  	v3 =	vld [tilespmem:$0x70];
	_ =	sdelay $0x4  }
0x1d6: {  	v39 =	vshll.u32 v3, $0x1  }
0x1d7: {  	v3 =	vand.u32 $0x7, v3;
	v4 =	vand.u32 $0xFFFFFFF0, v39  }
0x1d8: {  	v3 =	vor.u32 v3, v4  }
0x1d9: {  	v4 =	vperm.xlane v3, v0;
	_ =	sdelay $0x1  }
0x1da: {  	v3 =	vperm.xlane v3, v2;
	v4 =	vadd.s32 v1, v4;
	_ =	sdelay $0x1  }
0x1db: {  	v3 =	vadd.s32 v1, v3;
	_ =	sdelay $0x2  }
0x1dc: {  	[tilespmem:s30], [sflag:$0x1] =	stream.indirect_vreg.gather [hbm4b:s1+s3], $0x80, v4, vm0, $0xb8;
	[tilespmem:$0x8080] =	vst v63  }
0x1dd: {  	_ = 	snop  }
0x1de: {  	[tilespmem:s31], [sflag:$0x1] =	stream.indirect_vreg.gather [hbm4b:s1+s3], $0x80, v3, vm0, $0xb8;
	[tilespmem:$0x8080] =	vst v63  }
0x1df: {  	_ =	swait.ge [sflag:s0], $0x8000  }
0x1e0: {  	[sflag:s0] =	ssyncset.done $0x0  }
0x1e1: {  	[sflag:s0] =	ssyncadd.s32 $0xFFFF8000  }
0x1e2: {  	[hbm4b:s6+s3] =	stream.linear.scatter [tilespmem:s15], [sflag:$0x2], $0x8000, $0x38;
	[tilespmem:$0x8080] =	vst v63  }
0x1e3: {  	_ =	swait.ge [sflag:s14], $0x8000  }
0x1e4: {  	[sflag:s14] =	ssyncset.done $0x0  }
0x1e5: {  	[sflag:s14] =	ssyncadd.s32 $0xFFFF8000  }
0x1e6: {  	[tilespmem:s3], [sflag:$0x2] =	stream.linear.gather [hbm4b:s7+s3], $0x80, $0x38;
	[tilespmem:$0x8080] =	vst v63  }
0x1e7: {  	_ =	swait.ge [sflag:s14], $0x80  }
0x1e8: {  	[sflag:s14] =	ssyncset.done $0x0  }
0x1e9: {  	[sflag:s14] =	ssyncadd.s32 $0xFFFFFF80  }
0x1ea: {  	v3 =	vld [tilespmem:$0x0];
	_ =	sdelay $0x4  }
0x1eb: {  	v40 =	vshll.u32 v3, $0x1  }
0x1ec: {  	v3 =	vand.u32 $0x7, v3;
	v4 =	vand.u32 $0xFFFFFFF0, v40  }
0x1ed: {  	v3 =	vor.u32 v3, v4  }
0x1ee: {  	v4 =	vperm.xlane v3, v0;
	_ =	sdelay $0x1  }
0x1ef: {  	v3 =	vperm.xlane v3, v2;
	v4 =	vadd.s32 v1, v4;
	_ =	sdelay $0x1  }
0x1f0: {  	v3 =	vadd.s32 v1, v3;
	_ =	sdelay $0x2  }
0x1f1: {  	[tilespmem:s15], [sflag:$0x1] =	stream.indirect_vreg.gather [hbm4b:s1+s3], $0x80, v4, vm0, $0xb8;
	[tilespmem:$0x8080] =	vst v63  }
0x1f2: {  	_ = 	snop  }
0x1f3: {  	[tilespmem:s16], [sflag:$0x1] =	stream.indirect_vreg.gather [hbm4b:s1+s3], $0x80, v3, vm0, $0xb8;
	[tilespmem:$0x8080] =	vst v63  }
0x1f4: {  	v3 =	vld [tilespmem:$0x10];
	_ =	sdelay $0x4  }
0x1f5: {  	v41 =	vshll.u32 v3, $0x1  }
0x1f6: {  	v3 =	vand.u32 $0x7, v3;
	v4 =	vand.u32 $0xFFFFFFF0, v41  }
0x1f7: {  	v3 =	vor.u32 v3, v4  }
0x1f8: {  	v4 =	vperm.xlane v3, v0;
	_ =	sdelay $0x1  }
0x1f9: {  	v3 =	vperm.xlane v3, v2;
	v4 =	vadd.s32 v1, v4;
	_ =	sdelay $0x1  }
0x1fa: {  	v3 =	vadd.s32 v1, v3;
	_ =	sdelay $0x2  }
0x1fb: {  	[tilespmem:s17], [sflag:$0x1] =	stream.indirect_vreg.gather [hbm4b:s1+s3], $0x80, v4, vm0, $0xb8;
	[tilespmem:$0x8080] =	vst v63  }
0x1fc: {  	_ = 	snop  }
0x1fd: {  	[tilespmem:s18], [sflag:$0x1] =	stream.indirect_vreg.gather [hbm4b:s1+s3], $0x80, v3, vm0, $0xb8;
	[tilespmem:$0x8080] =	vst v63  }
0x1fe: {  	v3 =	vld [tilespmem:$0x20];
	_ =	sdelay $0x4  }
0x1ff: {  	v42 =	vshll.u32 v3, $0x1  }
0x200: {  	v3 =	vand.u32 $0x7, v3;
	v4 =	vand.u32 $0xFFFFFFF0, v42  }
0x201: {  	v3 =	vor.u32 v3, v4  }
0x202: {  	v4 =	vperm.xlane v3, v0;
	_ =	sdelay $0x1  }
0x203: {  	v3 =	vperm.xlane v3, v2;
	v4 =	vadd.s32 v1, v4;
	_ =	sdelay $0x1  }
0x204: {  	v3 =	vadd.s32 v1, v3;
	_ =	sdelay $0x2  }
0x205: {  	[tilespmem:s19], [sflag:$0x1] =	stream.indirect_vreg.gather [hbm4b:s1+s3], $0x80, v4, vm0, $0xb8;
	[tilespmem:$0x8080] =	vst v63  }
0x206: {  	_ = 	snop  }
0x207: {  	[tilespmem:s20], [sflag:$0x1] =	stream.indirect_vreg.gather [hbm4b:s1+s3], $0x80, v3, vm0, $0xb8;
	[tilespmem:$0x8080] =	vst v63  }
0x208: {  	v3 =	vld [tilespmem:$0x30];
	_ =	sdelay $0x4  }
0x209: {  	v43 =	vshll.u32 v3, $0x1  }
0x20a: {  	v3 =	vand.u32 $0x7, v3;
	v4 =	vand.u32 $0xFFFFFFF0, v43  }
0x20b: {  	v3 =	vor.u32 v3, v4  }
0x20c: {  	v4 =	vperm.xlane v3, v0;
	_ =	sdelay $0x1  }
0x20d: {  	v3 =	vperm.xlane v3, v2;
	v4 =	vadd.s32 v1, v4;
	_ =	sdelay $0x1  }
0x20e: {  	v3 =	vadd.s32 v1, v3;
	_ =	sdelay $0x2  }
0x20f: {  	[tilespmem:s21], [sflag:$0x1] =	stream.indirect_vreg.gather [hbm4b:s1+s3], $0x80, v4, vm0, $0xb8;
	[tilespmem:$0x8080] =	vst v63  }
0x210: {  	_ = 	snop  }
0x211: {  	[tilespmem:s22], [sflag:$0x1] =	stream.indirect_vreg.gather [hbm4b:s1+s3], $0x80, v3, vm0, $0xb8;
	[tilespmem:$0x8080] =	vst v63  }
0x212: {  	v3 =	vld [tilespmem:$0x40];
	_ =	sdelay $0x4  }
0x213: {  	v44 =	vshll.u32 v3, $0x1  }
0x214: {  	v3 =	vand.u32 $0x7, v3;
	v4 =	vand.u32 $0xFFFFFFF0, v44  }
0x215: {  	v3 =	vor.u32 v3, v4  }
0x216: {  	v4 =	vperm.xlane v3, v0;
	_ =	sdelay $0x1  }
0x217: {  	v3 =	vperm.xlane v3, v2;
	v4 =	vadd.s32 v1, v4;
	_ =	sdelay $0x1  }
0x218: {  	v3 =	vadd.s32 v1, v3;
	_ =	sdelay $0x2  }
0x219: {  	[tilespmem:s23], [sflag:$0x1] =	stream.indirect_vreg.gather [hbm4b:s1+s3], $0x80, v4, vm0, $0xb8;
	[tilespmem:$0x8080] =	vst v63  }
0x21a: {  	_ = 	snop  }
0x21b: {  	[tilespmem:s24], [sflag:$0x1] =	stream.indirect_vreg.gather [hbm4b:s1+s3], $0x80, v3, vm0, $0xb8;
	[tilespmem:$0x8080] =	vst v63  }
0x21c: {  	v3 =	vld [tilespmem:$0x50];
	_ =	sdelay $0x4  }
0x21d: {  	v45 =	vshll.u32 v3, $0x1  }
0x21e: {  	v3 =	vand.u32 $0x7, v3;
	v4 =	vand.u32 $0xFFFFFFF0, v45  }
0x21f: {  	v3 =	vor.u32 v3, v4  }
0x220: {  	v4 =	vperm.xlane v3, v0;
	_ =	sdelay $0x1  }
0x221: {  	v3 =	vperm.xlane v3, v2;
	v4 =	vadd.s32 v1, v4;
	_ =	sdelay $0x1  }
0x222: {  	v3 =	vadd.s32 v1, v3;
	_ =	sdelay $0x2  }
0x223: {  	[tilespmem:s25], [sflag:$0x1] =	stream.indirect_vreg.gather [hbm4b:s1+s3], $0x80, v4, vm0, $0xb8;
	[tilespmem:$0x8080] =	vst v63  }
0x224: {  	_ = 	snop  }
0x225: {  	[tilespmem:s26], [sflag:$0x1] =	stream.indirect_vreg.gather [hbm4b:s1+s3], $0x80, v3, vm0, $0xb8;
	[tilespmem:$0x8080] =	vst v63  }
0x226: {  	v3 =	vld [tilespmem:$0x60];
	_ =	sdelay $0x4  }
0x227: {  	v46 =	vshll.u32 v3, $0x1  }
0x228: {  	v3 =	vand.u32 $0x7, v3;
	v4 =	vand.u32 $0xFFFFFFF0, v46  }
0x229: {  	v3 =	vor.u32 v3, v4  }
0x22a: {  	v4 =	vperm.xlane v3, v0;
	_ =	sdelay $0x1  }
0x22b: {  	v3 =	vperm.xlane v3, v2;
	v4 =	vadd.s32 v1, v4;
	_ =	sdelay $0x1  }
0x22c: {  	v3 =	vadd.s32 v1, v3;
	_ =	sdelay $0x2  }
0x22d: {  	[tilespmem:s28], [sflag:$0x1] =	stream.indirect_vreg.gather [hbm4b:s1+s3], $0x80, v4, vm0, $0xb8;
	[tilespmem:$0x8080] =	vst v63  }
0x22e: {  	_ = 	snop  }
0x22f: {  	[tilespmem:s29], [sflag:$0x1] =	stream.indirect_vreg.gather [hbm4b:s1+s3], $0x80, v3, vm0, $0xb8;
	[tilespmem:$0x8080] =	vst v63  }
0x230: {  	v3 =	vld [tilespmem:$0x70];
	_ =	sdelay $0x4  }
0x231: {  	v47 =	vshll.u32 v3, $0x1  }
0x232: {  	v3 =	vand.u32 $0x7, v3;
	v4 =	vand.u32 $0xFFFFFFF0, v47  }
0x233: {  	v3 =	vor.u32 v3, v4  }
0x234: {  	v4 =	vperm.xlane v3, v0;
	_ =	sdelay $0x1  }
0x235: {  	v3 =	vperm.xlane v3, v2;
	v4 =	vadd.s32 v1, v4;
	_ =	sdelay $0x1  }
0x236: {  	v3 =	vadd.s32 v1, v3;
	_ =	sdelay $0x2  }
0x237: {  	[tilespmem:s30], [sflag:$0x1] =	stream.indirect_vreg.gather [hbm4b:s1+s3], $0x80, v4, vm0, $0xb8;
	[tilespmem:$0x8080] =	vst v63  }
0x238: {  	_ = 	snop  }
0x239: {  	[tilespmem:s31], [sflag:$0x1] =	stream.indirect_vreg.gather [hbm4b:s1+s3], $0x80, v3, vm0, $0xb8;
	[tilespmem:$0x8080] =	vst v63  }
0x23a: {  	_ =	swait.ge [sflag:s0], $0x8000  }
0x23b: {  	[sflag:s0] =	ssyncset.done $0x0  }
0x23c: {  	[sflag:s0] =	ssyncadd.s32 $0xFFFF8000  }
0x23d: {  	[hbm4b:s8+s3] =	stream.linear.scatter [tilespmem:s15], [sflag:$0x2], $0x8000, $0x38;
	[tilespmem:$0x8080] =	vst v63  }
0x23e: {  	_ =	swait.ge [sflag:s14], $0x8000  }
0x23f: {  	[sflag:s14] =	ssyncset.done $0x0  }
0x240: {  	[sflag:s14] =	ssyncadd.s32 $0xFFFF8000  }
0x241: {  	[tilespmem:s3], [sflag:$0x2] =	stream.linear.gather [hbm4b:s9+s3], $0x80, $0x38;
	[tilespmem:$0x8080] =	vst v63  }
0x242: {  	_ =	swait.ge [sflag:s14], $0x80  }
0x243: {  	[sflag:s14] =	ssyncset.done $0x0  }
0x244: {  	[sflag:s14] =	ssyncadd.s32 $0xFFFFFF80  }
0x245: {  	v3 =	vld [tilespmem:$0x0];
	_ =	sdelay $0x4  }
0x246: {  	v48 =	vshll.u32 v3, $0x1  }
0x247: {  	v3 =	vand.u32 $0x7, v3;
	v4 =	vand.u32 $0xFFFFFFF0, v48  }
0x248: {  	v3 =	vor.u32 v3, v4  }
0x249: {  	v4 =	vperm.xlane v3, v0;
	_ =	sdelay $0x1  }
0x24a: {  	v3 =	vperm.xlane v3, v2;
	v4 =	vadd.s32 v1, v4;
	_ =	sdelay $0x1  }
0x24b: {  	v3 =	vadd.s32 v1, v3;
	_ =	sdelay $0x2  }
0x24c: {  	[tilespmem:s15], [sflag:$0x1] =	stream.indirect_vreg.gather [hbm4b:s1+s3], $0x80, v4, vm0, $0xb8;
	[tilespmem:$0x8080] =	vst v63  }
0x24d: {  	_ = 	snop  }
0x24e: {  	[tilespmem:s16], [sflag:$0x1] =	stream.indirect_vreg.gather [hbm4b:s1+s3], $0x80, v3, vm0, $0xb8;
	[tilespmem:$0x8080] =	vst v63  }
0x24f: {  	v3 =	vld [tilespmem:$0x10];
	_ =	sdelay $0x4  }
0x250: {  	v49 =	vshll.u32 v3, $0x1  }
0x251: {  	v3 =	vand.u32 $0x7, v3;
	v4 =	vand.u32 $0xFFFFFFF0, v49  }
0x252: {  	v3 =	vor.u32 v3, v4  }
0x253: {  	v4 =	vperm.xlane v3, v0;
	_ =	sdelay $0x1  }
0x254: {  	v3 =	vperm.xlane v3, v2;
	v4 =	vadd.s32 v1, v4;
	_ =	sdelay $0x1  }
0x255: {  	v3 =	vadd.s32 v1, v3;
	_ =	sdelay $0x2  }
0x256: {  	[tilespmem:s17], [sflag:$0x1] =	stream.indirect_vreg.gather [hbm4b:s1+s3], $0x80, v4, vm0, $0xb8;
	[tilespmem:$0x8080] =	vst v63  }
0x257: {  	_ = 	snop  }
0x258: {  	[tilespmem:s18], [sflag:$0x1] =	stream.indirect_vreg.gather [hbm4b:s1+s3], $0x80, v3, vm0, $0xb8;
	[tilespmem:$0x8080] =	vst v63  }
0x259: {  	v3 =	vld [tilespmem:$0x20];
	_ =	sdelay $0x4  }
0x25a: {  	v50 =	vshll.u32 v3, $0x1  }
0x25b: {  	v3 =	vand.u32 $0x7, v3;
	v4 =	vand.u32 $0xFFFFFFF0, v50  }
0x25c: {  	v3 =	vor.u32 v3, v4  }
0x25d: {  	v4 =	vperm.xlane v3, v0;
	_ =	sdelay $0x1  }
0x25e: {  	v3 =	vperm.xlane v3, v2;
	v4 =	vadd.s32 v1, v4;
	_ =	sdelay $0x1  }
0x25f: {  	v3 =	vadd.s32 v1, v3;
	_ =	sdelay $0x2  }
0x260: {  	[tilespmem:s19], [sflag:$0x1] =	stream.indirect_vreg.gather [hbm4b:s1+s3], $0x80, v4, vm0, $0xb8;
	[tilespmem:$0x8080] =	vst v63  }
0x261: {  	_ = 	snop  }
0x262: {  	[tilespmem:s20], [sflag:$0x1] =	stream.indirect_vreg.gather [hbm4b:s1+s3], $0x80, v3, vm0, $0xb8;
	[tilespmem:$0x8080] =	vst v63  }
0x263: {  	v3 =	vld [tilespmem:$0x30];
	_ =	sdelay $0x4  }
0x264: {  	v51 =	vshll.u32 v3, $0x1  }
0x265: {  	v3 =	vand.u32 $0x7, v3;
	v4 =	vand.u32 $0xFFFFFFF0, v51  }
0x266: {  	v3 =	vor.u32 v3, v4  }
0x267: {  	v4 =	vperm.xlane v3, v0;
	_ =	sdelay $0x1  }
0x268: {  	v3 =	vperm.xlane v3, v2;
	v4 =	vadd.s32 v1, v4;
	_ =	sdelay $0x1  }
0x269: {  	v3 =	vadd.s32 v1, v3;
	_ =	sdelay $0x2  }
0x26a: {  	[tilespmem:s21], [sflag:$0x1] =	stream.indirect_vreg.gather [hbm4b:s1+s3], $0x80, v4, vm0, $0xb8;
	[tilespmem:$0x8080] =	vst v63  }
0x26b: {  	_ = 	snop  }
0x26c: {  	[tilespmem:s22], [sflag:$0x1] =	stream.indirect_vreg.gather [hbm4b:s1+s3], $0x80, v3, vm0, $0xb8;
	[tilespmem:$0x8080] =	vst v63  }
0x26d: {  	v3 =	vld [tilespmem:$0x40];
	_ =	sdelay $0x4  }
0x26e: {  	v52 =	vshll.u32 v3, $0x1  }
0x26f: {  	v3 =	vand.u32 $0x7, v3;
	v4 =	vand.u32 $0xFFFFFFF0, v52  }
0x270: {  	v3 =	vor.u32 v3, v4  }
0x271: {  	v4 =	vperm.xlane v3, v0;
	_ =	sdelay $0x1  }
0x272: {  	v3 =	vperm.xlane v3, v2;
	v4 =	vadd.s32 v1, v4;
	_ =	sdelay $0x1  }
0x273: {  	v3 =	vadd.s32 v1, v3;
	_ =	sdelay $0x2  }
0x274: {  	[tilespmem:s23], [sflag:$0x1] =	stream.indirect_vreg.gather [hbm4b:s1+s3], $0x80, v4, vm0, $0xb8;
	[tilespmem:$0x8080] =	vst v63  }
0x275: {  	_ = 	snop  }
0x276: {  	[tilespmem:s24], [sflag:$0x1] =	stream.indirect_vreg.gather [hbm4b:s1+s3], $0x80, v3, vm0, $0xb8;
	[tilespmem:$0x8080] =	vst v63  }
0x277: {  	v3 =	vld [tilespmem:$0x50];
	_ =	sdelay $0x4  }
0x278: {  	v53 =	vshll.u32 v3, $0x1  }
0x279: {  	v3 =	vand.u32 $0x7, v3;
	v4 =	vand.u32 $0xFFFFFFF0, v53  }
0x27a: {  	v3 =	vor.u32 v3, v4  }
0x27b: {  	v4 =	vperm.xlane v3, v0;
	_ =	sdelay $0x1  }
0x27c: {  	v3 =	vperm.xlane v3, v2;
	v4 =	vadd.s32 v1, v4;
	_ =	sdelay $0x1  }
0x27d: {  	v3 =	vadd.s32 v1, v3;
	_ =	sdelay $0x2  }
0x27e: {  	[tilespmem:s25], [sflag:$0x1] =	stream.indirect_vreg.gather [hbm4b:s1+s3], $0x80, v4, vm0, $0xb8;
	[tilespmem:$0x8080] =	vst v63  }
0x27f: {  	_ = 	snop  }
0x280: {  	[tilespmem:s26], [sflag:$0x1] =	stream.indirect_vreg.gather [hbm4b:s1+s3], $0x80, v3, vm0, $0xb8;
	[tilespmem:$0x8080] =	vst v63  }
0x281: {  	v3 =	vld [tilespmem:$0x60];
	_ =	sdelay $0x4  }
0x282: {  	v54 =	vshll.u32 v3, $0x1  }
0x283: {  	v3 =	vand.u32 $0x7, v3;
	v4 =	vand.u32 $0xFFFFFFF0, v54  }
0x284: {  	v3 =	vor.u32 v3, v4  }
0x285: {  	v4 =	vperm.xlane v3, v0;
	_ =	sdelay $0x1  }
0x286: {  	v3 =	vperm.xlane v3, v2;
	v4 =	vadd.s32 v1, v4;
	_ =	sdelay $0x1  }
0x287: {  	v3 =	vadd.s32 v1, v3;
	_ =	sdelay $0x2  }
0x288: {  	[tilespmem:s28], [sflag:$0x1] =	stream.indirect_vreg.gather [hbm4b:s1+s3], $0x80, v4, vm0, $0xb8;
	[tilespmem:$0x8080] =	vst v63  }
0x289: {  	_ = 	snop  }
0x28a: {  	[tilespmem:s29], [sflag:$0x1] =	stream.indirect_vreg.gather [hbm4b:s1+s3], $0x80, v3, vm0, $0xb8;
	[tilespmem:$0x8080] =	vst v63  }
0x28b: {  	v3 =	vld [tilespmem:$0x70];
	_ =	sdelay $0x4  }
0x28c: {  	v55 =	vshll.u32 v3, $0x1  }
0x28d: {  	v3 =	vand.u32 $0x7, v3;
	v4 =	vand.u32 $0xFFFFFFF0, v55  }
0x28e: {  	v3 =	vor.u32 v3, v4  }
0x28f: {  	v4 =	vperm.xlane v3, v0;
	_ =	sdelay $0x1  }
0x290: {  	v3 =	vperm.xlane v3, v2;
	v4 =	vadd.s32 v1, v4;
	_ =	sdelay $0x1  }
0x291: {  	v3 =	vadd.s32 v1, v3;
	_ =	sdelay $0x2  }
0x292: {  	[tilespmem:s30], [sflag:$0x1] =	stream.indirect_vreg.gather [hbm4b:s1+s3], $0x80, v4, vm0, $0xb8;
	[tilespmem:$0x8080] =	vst v63  }
0x293: {  	_ = 	snop  }
0x294: {  	[tilespmem:s31], [sflag:$0x1] =	stream.indirect_vreg.gather [hbm4b:s1+s3], $0x80, v3, vm0, $0xb8;
	[tilespmem:$0x8080] =	vst v63  }
0x295: {  	_ =	swait.ge [sflag:s0], $0x8000  }
0x296: {  	[sflag:s0] =	ssyncset.done $0x0  }
0x297: {  	[sflag:s0] =	ssyncadd.s32 $0xFFFF8000  }
0x298: {  	[hbm4b:s10+s3] =	stream.linear.scatter [tilespmem:s15], [sflag:$0x2], $0x8000, $0x38;
	[tilespmem:$0x8080] =	vst v63  }
0x299: {  	_ =	swait.ge [sflag:s14], $0x8000  }
0x29a: {  	[sflag:s14] =	ssyncset.done $0x0  }
0x29b: {  	[sflag:s14] =	ssyncadd.s32 $0xFFFF8000  }
0x29c: {  	[tilespmem:s3], [sflag:$0x2] =	stream.linear.gather [hbm4b:s11+s3], $0x80, $0x38;
	[tilespmem:$0x8080] =	vst v63  }
0x29d: {  	_ =	swait.ge [sflag:s14], $0x80  }
0x29e: {  	[sflag:s14] =	ssyncset.done $0x0  }
0x29f: {  	[sflag:s14] =	ssyncadd.s32 $0xFFFFFF80  }
0x2a0: {  	v3 =	vld [tilespmem:$0x0];
	_ =	sdelay $0x4  }
0x2a1: {  	v56 =	vshll.u32 v3, $0x1  }
0x2a2: {  	v3 =	vand.u32 $0x7, v3;
	v4 =	vand.u32 $0xFFFFFFF0, v56  }
0x2a3: {  	v3 =	vor.u32 v3, v4  }
0x2a4: {  	v4 =	vperm.xlane v3, v0;
	_ =	sdelay $0x1  }
0x2a5: {  	v3 =	vperm.xlane v3, v2;
	v4 =	vadd.s32 v1, v4;
	_ =	sdelay $0x1  }
0x2a6: {  	v3 =	vadd.s32 v1, v3;
	_ =	sdelay $0x2  }
0x2a7: {  	[tilespmem:s15], [sflag:$0x1] =	stream.indirect_vreg.gather [hbm4b:s1+s3], $0x80, v4, vm0, $0xb8;
	[tilespmem:$0x8080] =	vst v63  }
0x2a8: {  	_ = 	snop  }
0x2a9: {  	[tilespmem:s16], [sflag:$0x1] =	stream.indirect_vreg.gather [hbm4b:s1+s3], $0x80, v3, vm0, $0xb8;
	[tilespmem:$0x8080] =	vst v63  }
0x2aa: {  	v3 =	vld [tilespmem:$0x10];
	_ =	sdelay $0x4  }
0x2ab: {  	v57 =	vshll.u32 v3, $0x1  }
0x2ac: {  	v3 =	vand.u32 $0x7, v3;
	v4 =	vand.u32 $0xFFFFFFF0, v57  }
0x2ad: {  	v3 =	vor.u32 v3, v4  }
0x2ae: {  	v4 =	vperm.xlane v3, v0;
	_ =	sdelay $0x1  }
0x2af: {  	v3 =	vperm.xlane v3, v2;
	v4 =	vadd.s32 v1, v4;
	_ =	sdelay $0x1  }
0x2b0: {  	v3 =	vadd.s32 v1, v3;
	_ =	sdelay $0x2  }
0x2b1: {  	[tilespmem:s17], [sflag:$0x1] =	stream.indirect_vreg.gather [hbm4b:s1+s3], $0x80, v4, vm0, $0xb8;
	[tilespmem:$0x8080] =	vst v63  }
0x2b2: {  	_ = 	snop  }
0x2b3: {  	[tilespmem:s18], [sflag:$0x1] =	stream.indirect_vreg.gather [hbm4b:s1+s3], $0x80, v3, vm0, $0xb8;
	[tilespmem:$0x8080] =	vst v63  }
0x2b4: {  	v3 =	vld [tilespmem:$0x20];
	_ =	sdelay $0x4  }
0x2b5: {  	v58 =	vshll.u32 v3, $0x1  }
0x2b6: {  	v3 =	vand.u32 $0x7, v3;
	v4 =	vand.u32 $0xFFFFFFF0, v58  }
0x2b7: {  	v3 =	vor.u32 v3, v4  }
0x2b8: {  	v4 =	vperm.xlane v3, v0;
	_ =	sdelay $0x1  }
0x2b9: {  	v3 =	vperm.xlane v3, v2;
	v4 =	vadd.s32 v1, v4;
	_ =	sdelay $0x1  }
0x2ba: {  	v3 =	vadd.s32 v1, v3;
	_ =	sdelay $0x2  }
0x2bb: {  	[tilespmem:s19], [sflag:$0x1] =	stream.indirect_vreg.gather [hbm4b:s1+s3], $0x80, v4, vm0, $0xb8;
	[tilespmem:$0x8080] =	vst v63  }
0x2bc: {  	_ = 	snop  }
0x2bd: {  	[tilespmem:s20], [sflag:$0x1] =	stream.indirect_vreg.gather [hbm4b:s1+s3], $0x80, v3, vm0, $0xb8;
	[tilespmem:$0x8080] =	vst v63  }
0x2be: {  	v3 =	vld [tilespmem:$0x30];
	_ =	sdelay $0x4  }
0x2bf: {  	v59 =	vshll.u32 v3, $0x1  }
0x2c0: {  	v3 =	vand.u32 $0x7, v3;
	v4 =	vand.u32 $0xFFFFFFF0, v59  }
0x2c1: {  	v3 =	vor.u32 v3, v4  }
0x2c2: {  	v4 =	vperm.xlane v3, v0;
	_ =	sdelay $0x1  }
0x2c3: {  	v3 =	vperm.xlane v3, v2;
	v4 =	vadd.s32 v1, v4;
	_ =	sdelay $0x1  }
0x2c4: {  	v3 =	vadd.s32 v1, v3;
	_ =	sdelay $0x2  }
0x2c5: {  	[tilespmem:s21], [sflag:$0x1] =	stream.indirect_vreg.gather [hbm4b:s1+s3], $0x80, v4, vm0, $0xb8;
	[tilespmem:$0x8080] =	vst v63  }
0x2c6: {  	_ = 	snop  }
0x2c7: {  	[tilespmem:s22], [sflag:$0x1] =	stream.indirect_vreg.gather [hbm4b:s1+s3], $0x80, v3, vm0, $0xb8;
	[tilespmem:$0x8080] =	vst v63  }
0x2c8: {  	v3 =	vld [tilespmem:$0x40];
	_ =	sdelay $0x4  }
0x2c9: {  	v60 =	vshll.u32 v3, $0x1  }
0x2ca: {  	v3 =	vand.u32 $0x7, v3;
	v4 =	vand.u32 $0xFFFFFFF0, v60  }
0x2cb: {  	v3 =	vor.u32 v3, v4  }
0x2cc: {  	v4 =	vperm.xlane v3, v0;
	_ =	sdelay $0x1  }
0x2cd: {  	v3 =	vperm.xlane v3, v2;
	v4 =	vadd.s32 v1, v4;
	_ =	sdelay $0x1  }
0x2ce: {  	v3 =	vadd.s32 v1, v3;
	_ =	sdelay $0x2  }
0x2cf: {  	[tilespmem:s23], [sflag:$0x1] =	stream.indirect_vreg.gather [hbm4b:s1+s3], $0x80, v4, vm0, $0xb8;
	[tilespmem:$0x8080] =	vst v63  }
0x2d0: {  	_ = 	snop  }
0x2d1: {  	[tilespmem:s24], [sflag:$0x1] =	stream.indirect_vreg.gather [hbm4b:s1+s3], $0x80, v3, vm0, $0xb8;
	[tilespmem:$0x8080] =	vst v63  }
0x2d2: {  	v3 =	vld [tilespmem:$0x50];
	_ =	sdelay $0x4  }
0x2d3: {  	v61 =	vshll.u32 v3, $0x1  }
0x2d4: {  	v3 =	vand.u32 $0x7, v3;
	v4 =	vand.u32 $0xFFFFFFF0, v61  }
0x2d5: {  	v3 =	vor.u32 v3, v4  }
0x2d6: {  	v4 =	vperm.xlane v3, v0;
	_ =	sdelay $0x1  }
0x2d7: {  	v3 =	vperm.xlane v3, v2;
	v4 =	vadd.s32 v1, v4;
	_ =	sdelay $0x1  }
0x2d8: {  	v3 =	vadd.s32 v1, v3;
	_ =	sdelay $0x2  }
0x2d9: {  	[tilespmem:s25], [sflag:$0x1] =	stream.indirect_vreg.gather [hbm4b:s1+s3], $0x80, v4, vm0, $0xb8;
	[tilespmem:$0x8080] =	vst v63  }
0x2da: {  	_ = 	snop  }
0x2db: {  	[tilespmem:s26], [sflag:$0x1] =	stream.indirect_vreg.gather [hbm4b:s1+s3], $0x80, v3, vm0, $0xb8;
	[tilespmem:$0x8080] =	vst v63  }
0x2dc: {  	v3 =	vld [tilespmem:$0x60];
	_ =	sdelay $0x4  }
0x2dd: {  	v62 =	vshll.u32 v3, $0x1  }
0x2de: {  	v3 =	vand.u32 $0x7, v3;
	v4 =	vand.u32 $0xFFFFFFF0, v62  }
0x2df: {  	v3 =	vor.u32 v3, v4  }
0x2e0: {  	v4 =	vperm.xlane v3, v0;
	_ =	sdelay $0x1  }
0x2e1: {  	v3 =	vperm.xlane v3, v2;
	v4 =	vadd.s32 v1, v4;
	_ =	sdelay $0x1  }
0x2e2: {  	v3 =	vadd.s32 v1, v3;
	_ =	sdelay $0x2  }
0x2e3: {  	[tilespmem:s28], [sflag:$0x1] =	stream.indirect_vreg.gather [hbm4b:s1+s3], $0x80, v4, vm0, $0xb8;
	[tilespmem:$0x8080] =	vst v63  }
0x2e4: {  	_ = 	snop  }
0x2e5: {  	[tilespmem:s29], [sflag:$0x1] =	stream.indirect_vreg.gather [hbm4b:s1+s3], $0x80, v3, vm0, $0xb8;
	[tilespmem:$0x8080] =	vst v63  }
0x2e6: {  	v3 =	vld [tilespmem:$0x70];
	_ =	sdelay $0x4  }
0x2e7: {  	v63 =	vshll.u32 v3, $0x1  }
0x2e8: {  	v3 =	vand.u32 $0x7, v3;
	v4 =	vand.u32 $0xFFFFFFF0, v63  }
0x2e9: {  	v3 =	vor.u32 v3, v4  }
0x2ea: {  	v4 =	vperm.xlane v3, v0;
	_ =	sdelay $0x1  }
0x2eb: {  	v3 =	vperm.xlane v3, v2;
	v4 =	vadd.s32 v1, v4;
	_ =	sdelay $0x1  }
0x2ec: {  	v3 =	vadd.s32 v1, v3;
	_ =	sdelay $0x2  }
0x2ed: {  	[tilespmem:s30], [sflag:$0x1] =	stream.indirect_vreg.gather [hbm4b:s1+s3], $0x80, v4, vm0, $0xb8;
	[tilespmem:$0x8080] =	vst v63  }
0x2ee: {  	_ = 	snop  }
0x2ef: {  	[tilespmem:s31], [sflag:$0x1] =	stream.indirect_vreg.gather [hbm4b:s1+s3], $0x80, v3, vm0, $0xb8;
	[tilespmem:$0x8080] =	vst v63  }
0x2f0: {  	_ =	swait.ge [sflag:s0], $0x8000  }
0x2f1: {  	p0 =	sne.s32 s13, $0x1;
	[sflag:s0] =	ssyncset.done $0x0  }
.Ltmp0:
0x2f2: {  	[sflag:s0] =	ssyncadd.s32 $0xFFFF8000;
	(pc) =	sbr.rel @p0 .LBB2_1-.Ltmp0, $4  }
0x2f3: {  	[hbm4b:s12+s3] =	stream.linear.scatter [tilespmem:s15], [sflag:$0x2], $0x8000, $0x38;
	[tilespmem:$0x8080] =	vst v63  }
0x2f4: {  	_ =	swait.ge [sflag:s14], $0x8000  }
0x2f5: {  	[sflag:s14] =	ssyncset.done $0x0  }
0x2f6: {  	s13 =	sadd.s32 $0xFFFFFFFF, s13;
	[sflag:s14] =	ssyncadd.s32 $0xFFFF8000  }
0x2f7: {  	_ =	sfence.sel $0x180000  }
0x2f8: {  	[bflag:$0x0] =	sbarrier.arrive $0xFFFF  }
0x2f9: {  	_ =	strace $0x90000047  }
0x2fa: {  	s0 =	stileid.u32;
	[bflag:$0x2] =	sbarrier.arrive $0xFFFF  }
0x2fb: {  	p0 =	sne.s32 s0, $0x0;
	s0 =	rddreg [dreg:$0x3]  }
0x2fc: {  	s0 =	sadd.s32 @!p0 $0x100000, s0  }
0x2fd: {  	[sflag:s0] =	ssyncadd.tile.s32 @!p0 $0x1;
	_ =	shalt  }
.Lfunc_end2:
_tile_overlayer_lowered:
.L_overlay_start_2:
0x2fe: {  	(tag) =	ssettag $0x2  }
0x2ff: {  	s0 =	rddreg [dreg:$0x0];
	s2 =	stileid.u32  }
0x300: {  	s1 =	rddreg [dreg:$0x1];
	p0 =	sne.s32 s2, $0x0  }
0x301: {  	s3 =	rddreg [dreg:$0x2];
	[bflag:$0x3] =	sbarrier.arrive $0xFFFF;
	s2 =	simm.s32 @!p0 $0x1C02  }
0x302: {  	[timem:s3], [sflag:s2] =	dma.local @!p0 [hbm:s0], s1  }
0x303: {  	s0 =	simm.s32 @!p0 $0x2  }
0x304: {  	_ =	swait.ge @!p0 [sflag:s0], s1  }
0x305: {  	s1 =	ssub.s32 @!p0 $0x0, s1;
	[sflag:s0] =	ssyncset.done @!p0 $0x0  }
0x306: {  	[sflag:s0] =	ssyncadd.s32 @!p0 s1  }
0x307: {  	[bflag:$0x3] =	sbarrier.arrive $0xFFFF  }
0x308: {  	_ =	shalt  }

</sc_bundles>
